<compile_context>
chip_gen: v7x
topology: tpu7x:2x2x1
jax: 0.10.2.dev20260603
libtpu: 0.0.44.dev20260713+nightly
codegen_flags: <defaults>
</compile_context>

<pallas_src>
import jax
import jax.numpy as jnp
from jax.experimental import pallas as pl
from jax.experimental.pallas import tpu as pltpu
from jax.experimental.pallas import tpu_sc as plsc

TOT = 128
QS = 50
MAXN = 4096
NV = 32
MTHIS = 2048

NTILES = 32
SC_CH = TOT // NTILES


def _sc_bank_body(scal_hbm, zsrc_hbm, mni_hbm, out_hbm,
                  svmem, zvmem, sem_s, sem_z, fill_sem, row_sem):
    c = jax.lax.axis_index("c")
    s = jax.lax.axis_index("s")
    w = c * 16 + s

    pltpu.make_async_copy(scal_hbm, svmem, sem_s).start()
    pltpu.make_async_copy(scal_hbm, svmem, sem_s).wait()
    sv = svmem[...]
    bidx = sv[0]
    stm = jax.lax.rem(sv[1], jnp.int32(QS))

    pltpu.make_async_copy(zsrc_hbm, zvmem, sem_z).start()
    pltpu.make_async_copy(zsrc_hbm, zvmem, sem_z).wait()

    for j in range(SC_CH):
        row = w * jnp.int32(SC_CH) + jnp.int32(j)
        for k in range(2):
            pltpu.make_async_copy(
                zvmem, out_hbm.at[row, :, pl.ds(k * (MAXN // 2), MAXN // 2)],
                fill_sem).start()
    for j in range(SC_CH):
        row = w * jnp.int32(SC_CH) + jnp.int32(j)
        for k in range(2):
            pltpu.make_async_copy(
                zvmem, out_hbm.at[row, :, pl.ds(k * (MAXN // 2), MAXN // 2)],
                fill_sem).wait()

    @pl.when(bidx // SC_CH == w)
    def _():
        for v in range(NV):
            q = jax.lax.rem(stm + jnp.int32(v), jnp.int32(QS))
            pltpu.make_async_copy(
                mni_hbm.at[jnp.int32(v)],
                out_hbm.at[bidx, q, pl.ds(0, MTHIS)], row_sem).start()
        for v in range(NV):
            q = jax.lax.rem(stm + jnp.int32(v), jnp.int32(QS))
            pltpu.make_async_copy(
                mni_hbm.at[jnp.int32(v)],
                out_hbm.at[bidx, q, pl.ds(0, MTHIS)], row_sem).wait()


def _book_kernel(scal_ref, nmn_ref, st_ref, qs_ref, nmb_ref, tm_ref, pf_ref,
                 nmb_out, tm_out, pf_out, st_out, qs_out):
    bidx = scal_ref[0]
    stv = scal_ref[1]
    r = jax.lax.rem(stv, jnp.int32(QS))

    b_io = jax.lax.broadcasted_iota(jnp.int32, (TOT, QS), 0)
    q_io = jax.lax.broadcasted_iota(jnp.int32, (TOT, QS), 1)
    vq = q_io - r
    vq = jnp.where(vq < 0, vq + QS, vq)
    mask = (b_io == bidx) & (vq < NV)
    tm_out[...] = jnp.where(mask, jnp.float32(1.0), tm_ref[...])
    pf_out[...] = jnp.where(mask, jnp.float32(0.0), pf_ref[...])
    nmb = nmb_ref[...]
    for v in range(NV):
        q = jax.lax.rem(r + jnp.int32(v), jnp.int32(QS))
        nmb = jnp.where((b_io == bidx) & (q_io == q), nmn_ref[v], nmb)
    nmb_out[...] = nmb

    idx = jax.lax.broadcasted_iota(jnp.int32, (1, TOT), 1)
    news = jax.lax.rem(stv + jnp.int32(NV), jnp.int32(QS))
    st_out[...] = jnp.where(idx == bidx, news, st_ref[...])
    nq = jnp.where(idx == bidx, qs_ref[...] + NV, qs_ref[...])
    qs_out[...] = jnp.where(nq < QS, nq, QS - 1)


def kernel(masked_nodes_idx_buf, queue_st_idx, queue_size, num_masked_nodes_buf,
           mocked_times, mocked_profits, batch_idx, masked_nodes_idx,
           num_masked_nodes):
    bidx = jnp.asarray(batch_idx, jnp.int32)
    st32 = queue_st_idx.astype(jnp.int32).reshape(1, TOT)
    qs32 = queue_size.astype(jnp.int32).reshape(1, TOT)
    nmb32 = num_masked_nodes_buf.astype(jnp.int32)
    nmn32 = num_masked_nodes.astype(jnp.int32)
    stb = jnp.take(st32[0], bidx).astype(jnp.int32)
    scal = jnp.concatenate(
        [jnp.stack([bidx, stb]), jnp.zeros((14,), jnp.int32)])
    mni32 = masked_nodes_idx.astype(jnp.uint32)
    zsrc = jnp.zeros((QS, MAXN // 2), dtype=jnp.uint32)

    out_buf = pl.kernel(
        _sc_bank_body,
        out_type=jax.ShapeDtypeStruct((TOT, QS, MAXN), jnp.uint32),
        mesh=plsc.VectorSubcoreMesh(core_axis_name="c", subcore_axis_name="s"),
        scratch_types=[
            pltpu.VMEM((16,), jnp.int32),
            pltpu.VMEM((QS, MAXN // 2), jnp.uint32),
            pltpu.SemaphoreType.DMA,
            pltpu.SemaphoreType.DMA,
            pltpu.SemaphoreType.DMA,
            pltpu.SemaphoreType.DMA,
        ],
    )(scal, zsrc, mni32)

    nmb_o, tm_o, pf_o, st_o, qs_o = pl.pallas_call(
        _book_kernel,
        out_shape=[
            jax.ShapeDtypeStruct((TOT, QS), jnp.int32),
            jax.ShapeDtypeStruct((TOT, QS), jnp.float32),
            jax.ShapeDtypeStruct((TOT, QS), jnp.float32),
            jax.ShapeDtypeStruct((1, TOT), jnp.int32),
            jax.ShapeDtypeStruct((1, TOT), jnp.int32),
        ],
        in_specs=[
            pl.BlockSpec(memory_space=pltpu.MemorySpace.SMEM),
            pl.BlockSpec(memory_space=pltpu.MemorySpace.SMEM),
            pl.BlockSpec((1, TOT), lambda: (0, 0)),
            pl.BlockSpec((1, TOT), lambda: (0, 0)),
            pl.BlockSpec((TOT, QS), lambda: (0, 0)),
            pl.BlockSpec((TOT, QS), lambda: (0, 0)),
            pl.BlockSpec((TOT, QS), lambda: (0, 0)),
        ],
        out_specs=[
            pl.BlockSpec((TOT, QS), lambda: (0, 0)),
            pl.BlockSpec((TOT, QS), lambda: (0, 0)),
            pl.BlockSpec((TOT, QS), lambda: (0, 0)),
            pl.BlockSpec((1, TOT), lambda: (0, 0)),
            pl.BlockSpec((1, TOT), lambda: (0, 0)),
        ],
    )(scal, nmn32, st32, qs32, nmb32, mocked_times, mocked_profits)

    dt = queue_st_idx.dtype
    return (out_buf.astype(masked_nodes_idx_buf.dtype),
            nmb_o.astype(num_masked_nodes_buf.dtype),
            tm_o, pf_o,
            st_o.reshape(TOT).astype(dt),
            qs_o.reshape(TOT).astype(dt))

# --- scband reference (transcript-rebuilt; emitter-appended) ---
"""Pipeline reference for scband-memory-mol-masks-27255862460914 (READ-ONLY COPY).

The authoritative reference and input builder live on the scoring server;
editing this copy changes nothing except your own understanding.
"""

import jax, jax.numpy as jnp
import numpy as np
jax.config.update("jax_enable_x64", True)

TOT = 128
QS = 50
MAXN = 4096
NV = 32
MTHIS = 2048


def setup_inputs(seed: int = 0) -> dict:
    key = jax.random.key(seed)
    k1, k2 = jax.random.split(key)
    return {
        "masked_nodes_idx_buf": jnp.zeros((TOT, QS, MAXN), dtype=jnp.int64),
        "queue_st_idx": jnp.zeros((TOT,), dtype=jnp.int64),
        "queue_size": jnp.zeros((TOT,), dtype=jnp.int64),
        "num_masked_nodes_buf": jnp.zeros((TOT, QS), dtype=jnp.int64),
        "mocked_times": jnp.ones((TOT, QS), dtype=jnp.float32),
        "mocked_profits": jnp.zeros((TOT, QS), dtype=jnp.float32),
        "batch_idx": 7,
        "masked_nodes_idx": jax.random.randint(k1, (NV, MTHIS), 0, MAXN, dtype=jnp.int64),
        "num_masked_nodes": jax.random.randint(k2, (NV,), 0, MTHIS, dtype=jnp.int64),
    }


def reference(masked_nodes_idx_buf, queue_st_idx, queue_size, num_masked_nodes_buf, mocked_times, mocked_profits, batch_idx, masked_nodes_idx, num_masked_nodes):
    # Faithful translation of MemoryMolMasks.push_into_queue as a functional state update.
    num_masked_version = masked_nodes_idx.shape[0]
    max_num_masked_nodes_this_batch = masked_nodes_idx.shape[1]
    in_queue_idx = jnp.arange(num_masked_version, dtype=queue_st_idx.dtype)
    in_queue_idx = in_queue_idx + queue_st_idx[batch_idx]
    in_queue_idx = jnp.mod(in_queue_idx, QS)
    new_masked_buf = masked_nodes_idx_buf.at[batch_idx, in_queue_idx, :max_num_masked_nodes_this_batch].set(masked_nodes_idx)
    new_num_masked = num_masked_nodes_buf.at[batch_idx, in_queue_idx].set(num_masked_nodes)
    new_times = mocked_times.at[batch_idx, in_queue_idx].set(1.0)
    new_profits = mocked_profits.at[batch_idx, in_queue_idx].set(0.0)
    new_st = queue_st_idx.at[batch_idx].set((queue_st_idx[batch_idx] + num_masked_version) % QS)
    new_qs = queue_size.at[batch_idx].add(num_masked_version)
    new_qs = jnp.where(new_qs < QS, new_qs, jnp.full_like(new_qs, QS - 1))
    return (new_masked_buf, new_num_masked, new_times, new_profits, new_st, new_qs)

if __name__ == "__main__":
    import jax
    _d = setup_inputs()
    print(jax.jit(kernel)(*tuple(_d.values())))

</pallas_src>

<mosaic_0001>
#map = affine_map<(d0, d1) -> (0)>
#map1 = affine_map<(d0, d1) -> (0, 0)>
#map2 = affine_map<(d0, d1) -> (0, 0, 0)>
module attributes {stable_mosaic.version = 14 : i64} {
  func.func @_sc_bank_body(%arg0: i32, %arg1: i32, %arg2: memref<16xi32, #tpu.memory_space<hbm>>, %arg3: memref<50x2048xi32, #tpu.memory_space<hbm>>, %arg4: memref<32x2048xi32, #tpu.memory_space<hbm>>, %arg5: memref<128x50x4096xi32, #tpu.memory_space<hbm>>, %arg6: memref<16xi32, #tpu.memory_space<vmem>>, %arg7: memref<50x2048xi32, #tpu.memory_space<vmem>>, %arg8: memref<!tpu.dma_semaphore, #tpu.memory_space<semaphore_mem>>, %arg9: memref<!tpu.dma_semaphore, #tpu.memory_space<semaphore_mem>>, %arg10: memref<!tpu.dma_semaphore, #tpu.memory_space<semaphore_mem>>, %arg11: memref<!tpu.dma_semaphore, #tpu.memory_space<semaphore_mem>>) attributes {dimension_semantics = [#tpu.dimension_semantics<core_parallel>, #tpu.dimension_semantics<subcore_parallel>], iteration_bounds = array<i64: 2, 16>, scalar_prefetch = 0 : i64, scratch_operands = 6 : i64, tpu.core_type = #tpu.core_type<sc_vector_subcore>, window_params = [{transform_indices = #map}, {transform_indices = #map1}, {transform_indices = #map1}, {transform_indices = #map2}]} {
    %mul3A = arith.constant 16 : i32
    %mul3A_0 = arith.muli %arg0, %mul3A : i32
    %add3A = arith.addi %mul3A_0, %arg1 : i32
    tpu.enqueue_dma source(%arg2 : memref<16xi32, #tpu.memory_space<hbm>>) target(%arg6 : memref<16xi32, #tpu.memory_space<vmem>>) target_semaphore(%arg8 : memref<!tpu.dma_semaphore, #tpu.memory_space<semaphore_mem>>)
    tpu.wait_dma2 semaphore(%arg8 : memref<!tpu.dma_semaphore, #tpu.memory_space<semaphore_mem>>) src(%arg2 : memref<16xi32, #tpu.memory_space<hbm>>) dst(%arg6 : memref<16xi32, #tpu.memory_space<vmem>>)
    %get3A = arith.constant 0 : index
    %get3A_1 = tpu.vector_load %arg6[%get3A] {strides = array<i32>} : memref<16xi32, #tpu.memory_space<vmem>>, vector<16xi32>,
    %get3A_2 = vector.shape_cast %get3A_1 : vector<16xi32> to vector<16xi32>
    %slice3A = vector.extract_strided_slice %get3A_2 {offsets = [0], sizes = [1], strides = [1]} : vector<16xi32> to vector<1xi32>
    %squeeze3A = vector.extract %slice3A[0] : i32 from vector<1xi32>
    %slice3A_3 = vector.extract_strided_slice %get3A_2 {offsets = [1], sizes = [1], strides = [1]} : vector<16xi32> to vector<1xi32>
    %squeeze3A_4 = vector.extract %slice3A_3[0] : i32 from vector<1xi32>
    %rem3A = arith.constant 50 : i32
    %rem3A_5 = arith.remsi %squeeze3A_4, %rem3A : i32
    tpu.enqueue_dma source(%arg3 : memref<50x2048xi32, #tpu.memory_space<hbm>>) target(%arg7 : memref<50x2048xi32, #tpu.memory_space<vmem>>) target_semaphore(%arg9 : memref<!tpu.dma_semaphore, #tpu.memory_space<semaphore_mem>>)
    tpu.wait_dma2 semaphore(%arg9 : memref<!tpu.dma_semaphore, #tpu.memory_space<semaphore_mem>>) src(%arg3 : memref<50x2048xi32, #tpu.memory_space<hbm>>) dst(%arg7 : memref<50x2048xi32, #tpu.memory_space<vmem>>)
    %mul3A_6 = arith.constant 4 : i32
    %mul3A_7 = arith.muli %add3A, %mul3A_6 : i32
    %add3A_8 = arith.constant 0 : i32
    %add3A_9 = arith.addi %mul3A_7, %add3A_8 : i32
    %dma_start3A = arith.constant 0 : i32
    %dma_start3A_10 = arith.constant 0 : i32
    %dma_start3A_11 = tpu.memref_slice %arg5[%add3A_9, %dma_start3A, %dma_start3A_10] : memref<128x50x4096xi32, #tpu.memory_space<hbm>> -> memref<1x50x2048xi32, #tpu.memory_space<hbm>>
    %dma_start3A_12 = tpu.memref_squeeze %dma_start3A_11 : memref<1x50x2048xi32, #tpu.memory_space<hbm>> -> memref<50x2048xi32, #tpu.memory_space<hbm>>
    %dma_start3A_13 = arith.constant 0 : i32
    %dma_start3A_14 = arith.constant 0 : i32
    %dma_start3A_15 = tpu.memref_slice %arg5[%add3A_9, %dma_start3A_13, %dma_start3A_14] : memref<128x50x4096xi32, #tpu.memory_space<hbm>> -> memref<1x50x2048xi32, #tpu.memory_space<hbm>>
    %dma_start3A_16 = tpu.memref_squeeze %dma_start3A_15 : memref<1x50x2048xi32, #tpu.memory_space<hbm>> -> memref<50x2048xi32, #tpu.memory_space<hbm>>
    tpu.enqueue_dma source(%arg7 : memref<50x2048xi32, #tpu.memory_space<vmem>>) target(%dma_start3A_16 : memref<50x2048xi32, #tpu.memory_space<hbm>>) target_semaphore(%arg10 : memref<!tpu.dma_semaphore, #tpu.memory_space<semaphore_mem>>)
    %dma_start3A_17 = arith.constant 0 : i32
    %dma_start3A_18 = arith.constant 2048 : i32
    %dma_start3A_19 = tpu.memref_slice %arg5[%add3A_9, %dma_start3A_17, %dma_start3A_18] : memref<128x50x4096xi32, #tpu.memory_space<hbm>> -> memref<1x50x2048xi32, #tpu.memory_space<hbm>>
    %dma_start3A_20 = tpu.memref_squeeze %dma_start3A_19 : memref<1x50x2048xi32, #tpu.memory_space<hbm>> -> memref<50x2048xi32, #tpu.memory_space<hbm>>
    %dma_start3A_21 = arith.constant 0 : i32
    %dma_start3A_22 = arith.constant 2048 : i32
    %dma_start3A_23 = tpu.memref_slice %arg5[%add3A_9, %dma_start3A_21, %dma_start3A_22] : memref<128x50x4096xi32, #tpu.memory_space<hbm>> -> memref<1x50x2048xi32, #tpu.memory_space<hbm>>
    %dma_start3A_24 = tpu.memref_squeeze %dma_start3A_23 : memref<1x50x2048xi32, #tpu.memory_space<hbm>> -> memref<50x2048xi32, #tpu.memory_space<hbm>>
    tpu.enqueue_dma source(%arg7 : memref<50x2048xi32, #tpu.memory_space<vmem>>) target(%dma_start3A_24 : memref<50x2048xi32, #tpu.memory_space<hbm>>) target_semaphore(%arg10 : memref<!tpu.dma_semaphore, #tpu.memory_space<semaphore_mem>>)
    %mul3A_25 = arith.constant 4 : i32
    %mul3A_26 = arith.muli %add3A, %mul3A_25 : i32
    %add3A_27 = arith.constant 1 : i32
    %add3A_28 = arith.addi %mul3A_26, %add3A_27 : i32
    %dma_start3A_29 = arith.constant 0 : i32
    %dma_start3A_30 = arith.constant 0 : i32
    %dma_start3A_31 = tpu.memref_slice %arg5[%add3A_28, %dma_start3A_29, %dma_start3A_30] : memref<128x50x4096xi32, #tpu.memory_space<hbm>> -> memref<1x50x2048xi32, #tpu.memory_space<hbm>>
    %dma_start3A_32 = tpu.memref_squeeze %dma_start3A_31 : memref<1x50x2048xi32, #tpu.memory_space<hbm>> -> memref<50x2048xi32, #tpu.memory_space<hbm>>
    %dma_start3A_33 = arith.constant 0 : i32
    %dma_start3A_34 = arith.constant 0 : i32
    %dma_start3A_35 = tpu.memref_slice %arg5[%add3A_28, %dma_start3A_33, %dma_start3A_34] : memref<128x50x4096xi32, #tpu.memory_space<hbm>> -> memref<1x50x2048xi32, #tpu.memory_space<hbm>>
    %dma_start3A_36 = tpu.memref_squeeze %dma_start3A_35 : memref<1x50x2048xi32, #tpu.memory_space<hbm>> -> memref<50x2048xi32, #tpu.memory_space<hbm>>
    tpu.enqueue_dma source(%arg7 : memref<50x2048xi32, #tpu.memory_space<vmem>>) target(%dma_start3A_36 : memref<50x2048xi32, #tpu.memory_space<hbm>>) target_semaphore(%arg10 : memref<!tpu.dma_semaphore, #tpu.memory_space<semaphore_mem>>)
    %dma_start3A_37 = arith.constant 0 : i32
    %dma_start3A_38 = arith.constant 2048 : i32
    %dma_start3A_39 = tpu.memref_slice %arg5[%add3A_28, %dma_start3A_37, %dma_start3A_38] : memref<128x50x4096xi32, #tpu.memory_space<hbm>> -> memref<1x50x2048xi32, #tpu.memory_space<hbm>>
    %dma_start3A_40 = tpu.memref_squeeze %dma_start3A_39 : memref<1x50x2048xi32, #tpu.memory_space<hbm>> -> memref<50x2048xi32, #tpu.memory_space<hbm>>
    %dma_start3A_41 = arith.constant 0 : i32
    %dma_start3A_42 = arith.constant 2048 : i32
    %dma_start3A_43 = tpu.memref_slice %arg5[%add3A_28, %dma_start3A_41, %dma_start3A_42] : memref<128x50x4096xi32, #tpu.memory_space<hbm>> -> memref<1x50x2048xi32, #tpu.memory_space<hbm>>
    %dma_start3A_44 = tpu.memref_squeeze %dma_start3A_43 : memref<1x50x2048xi32, #tpu.memory_space<hbm>> -> memref<50x2048xi32, #tpu.memory_space<hbm>>
    tpu.enqueue_dma source(%arg7 : memref<50x2048xi32, #tpu.memory_space<vmem>>) target(%dma_start3A_44 : memref<50x2048xi32, #tpu.memory_space<hbm>>) target_semaphore(%arg10 : memref<!tpu.dma_semaphore, #tpu.memory_space<semaphore_mem>>)
    %mul3A_45 = arith.constant 4 : i32
    %mul3A_46 = arith.muli %add3A, %mul3A_45 : i32
    %add3A_47 = arith.constant 2 : i32
    %add3A_48 = arith.addi %mul3A_46, %add3A_47 : i32
    %dma_start3A_49 = arith.constant 0 : i32
    %dma_start3A_50 = arith.constant 0 : i32
    %dma_start3A_51 = tpu.memref_slice %arg5[%add3A_48, %dma_start3A_49, %dma_start3A_50] : memref<128x50x4096xi32, #tpu.memory_space<hbm>> -> memref<1x50x2048xi32, #tpu.memory_space<hbm>>
    %dma_start3A_52 = tpu.memref_squeeze %dma_start3A_51 : memref<1x50x2048xi32, #tpu.memory_space<hbm>> -> memref<50x2048xi32, #tpu.memory_space<hbm>>
    %dma_start3A_53 = arith.constant 0 : i32
    %dma_start3A_54 = arith.constant 0 : i32
    %dma_start3A_55 = tpu.memref_slice %arg5[%add3A_48, %dma_start3A_53, %dma_start3A_54] : memref<128x50x4096xi32, #tpu.memory_space<hbm>> -> memref<1x50x2048xi32, #tpu.memory_space<hbm>>
    %dma_start3A_56 = tpu.memref_squeeze %dma_start3A_55 : memref<1x50x2048xi32, #tpu.memory_space<hbm>> -> memref<50x2048xi32, #tpu.memory_space<hbm>>
    tpu.enqueue_dma source(%arg7 : memref<50x2048xi32, #tpu.memory_space<vmem>>) target(%dma_start3A_56 : memref<50x2048xi32, #tpu.memory_space<hbm>>) target_semaphore(%arg10 : memref<!tpu.dma_semaphore, #tpu.memory_space<semaphore_mem>>)
    %dma_start3A_57 = arith.constant 0 : i32
    %dma_start3A_58 = arith.constant 2048 : i32
    %dma_start3A_59 = tpu.memref_slice %arg5[%add3A_48, %dma_start3A_57, %dma_start3A_58] : memref<128x50x4096xi32, #tpu.memory_space<hbm>> -> memref<1x50x2048xi32, #tpu.memory_space<hbm>>
    %dma_start3A_60 = tpu.memref_squeeze %dma_start3A_59 : memref<1x50x2048xi32, #tpu.memory_space<hbm>> -> memref<50x2048xi32, #tpu.memory_space<hbm>>
    %dma_start3A_61 = arith.constant 0 : i32
    %dma_start3A_62 = arith.constant 2048 : i32
    %dma_start3A_63 = tpu.memref_slice %arg5[%add3A_48, %dma_start3A_61, %dma_start3A_62] : memref<128x50x4096xi32, #tpu.memory_space<hbm>> -> memref<1x50x2048xi32, #tpu.memory_space<hbm>>
    %dma_start3A_64 = tpu.memref_squeeze %dma_start3A_63 : memref<1x50x2048xi32, #tpu.memory_space<hbm>> -> memref<50x2048xi32, #tpu.memory_space<hbm>>
    tpu.enqueue_dma source(%arg7 : memref<50x2048xi32, #tpu.memory_space<vmem>>) target(%dma_start3A_64 : memref<50x2048xi32, #tpu.memory_space<hbm>>) target_semaphore(%arg10 : memref<!tpu.dma_semaphore, #tpu.memory_space<semaphore_mem>>)
    %mul3A_65 = arith.constant 4 : i32
    %mul3A_66 = arith.muli %add3A, %mul3A_65 : i32
    %add3A_67 = arith.constant 3 : i32
    %add3A_68 = arith.addi %mul3A_66, %add3A_67 : i32
    %dma_start3A_69 = arith.constant 0 : i32
    %dma_start3A_70 = arith.constant 0 : i32
    %dma_start3A_71 = tpu.memref_slice %arg5[%add3A_68, %dma_start3A_69, %dma_start3A_70] : memref<128x50x4096xi32, #tpu.memory_space<hbm>> -> memref<1x50x2048xi32, #tpu.memory_space<hbm>>
    %dma_start3A_72 = tpu.memref_squeeze %dma_start3A_71 : memref<1x50x2048xi32, #tpu.memory_space<hbm>> -> memref<50x2048xi32, #tpu.memory_space<hbm>>
    %dma_start3A_73 = arith.constant 0 : i32
    %dma_start3A_74 = arith.constant 0 : i32
    %dma_start3A_75 = tpu.memref_slice %arg5[%add3A_68, %dma_start3A_73, %dma_start3A_74] : memref<128x50x4096xi32, #tpu.memory_space<hbm>> -> memref<1x50x2048xi32, #tpu.memory_space<hbm>>
    %dma_start3A_76 = tpu.memref_squeeze %dma_start3A_75 : memref<1x50x2048xi32, #tpu.memory_space<hbm>> -> memref<50x2048xi32, #tpu.memory_space<hbm>>
    tpu.enqueue_dma source(%arg7 : memref<50x2048xi32, #tpu.memory_space<vmem>>) target(%dma_start3A_76 : memref<50x2048xi32, #tpu.memory_space<hbm>>) target_semaphore(%arg10 : memref<!tpu.dma_semaphore, #tpu.memory_space<semaphore_mem>>)
    %dma_start3A_77 = arith.constant 0 : i32
    %dma_start3A_78 = arith.constant 2048 : i32
    %dma_start3A_79 = tpu.memref_slice %arg5[%add3A_68, %dma_start3A_77, %dma_start3A_78] : memref<128x50x4096xi32, #tpu.memory_space<hbm>> -> memref<1x50x2048xi32, #tpu.memory_space<hbm>>
    %dma_start3A_80 = tpu.memref_squeeze %dma_start3A_79 : memref<1x50x2048xi32, #tpu.memory_space<hbm>> -> memref<50x2048xi32, #tpu.memory_space<hbm>>
    %dma_start3A_81 = arith.constant 0 : i32
    %dma_start3A_82 = arith.constant 2048 : i32
    %dma_start3A_83 = tpu.memref_slice %arg5[%add3A_68, %dma_start3A_81, %dma_start3A_82] : memref<128x50x4096xi32, #tpu.memory_space<hbm>> -> memref<1x50x2048xi32, #tpu.memory_space<hbm>>
    %dma_start3A_84 = tpu.memref_squeeze %dma_start3A_83 : memref<1x50x2048xi32, #tpu.memory_space<hbm>> -> memref<50x2048xi32, #tpu.memory_space<hbm>>
    tpu.enqueue_dma source(%arg7 : memref<50x2048xi32, #tpu.memory_space<vmem>>) target(%dma_start3A_84 : memref<50x2048xi32, #tpu.memory_space<hbm>>) target_semaphore(%arg10 : memref<!tpu.dma_semaphore, #tpu.memory_space<semaphore_mem>>)
    %mul3A_85 = arith.constant 4 : i32
    %mul3A_86 = arith.muli %add3A, %mul3A_85 : i32
    %add3A_87 = arith.constant 0 : i32
    %add3A_88 = arith.addi %mul3A_86, %add3A_87 : i32
    %dma_wait3A = arith.constant 0 : i32
    %dma_wait3A_89 = arith.constant 0 : i32
    %dma_wait3A_90 = tpu.memref_slice %arg5[%add3A_88, %dma_wait3A, %dma_wait3A_89] : memref<128x50x4096xi32, #tpu.memory_space<hbm>> -> memref<1x50x2048xi32, #tpu.memory_space<hbm>>
    %dma_wait3A_91 = tpu.memref_squeeze %dma_wait3A_90 : memref<1x50x2048xi32, #tpu.memory_space<hbm>> -> memref<50x2048xi32, #tpu.memory_space<hbm>>
    %dma_wait3A_92 = arith.constant 0 : i32
    %dma_wait3A_93 = arith.constant 0 : i32
    %dma_wait3A_94 = tpu.memref_slice %arg5[%add3A_88, %dma_wait3A_92, %dma_wait3A_93] : memref<128x50x4096xi32, #tpu.memory_space<hbm>> -> memref<1x50x2048xi32, #tpu.memory_space<hbm>>
    %dma_wait3A_95 = tpu.memref_squeeze %dma_wait3A_94 : memref<1x50x2048xi32, #tpu.memory_space<hbm>> -> memref<50x2048xi32, #tpu.memory_space<hbm>>
    tpu.wait_dma2 semaphore(%arg10 : memref<!tpu.dma_semaphore, #tpu.memory_space<semaphore_mem>>) src(%arg7 : memref<50x2048xi32, #tpu.memory_space<vmem>>) dst(%dma_wait3A_95 : memref<50x2048xi32, #tpu.memory_space<hbm>>)
    %dma_wait3A_96 = arith.constant 0 : i32
    %dma_wait3A_97 = arith.constant 2048 : i32
    %dma_wait3A_98 = tpu.memref_slice %arg5[%add3A_88, %dma_wait3A_96, %dma_wait3A_97] : memref<128x50x4096xi32, #tpu.memory_space<hbm>> -> memref<1x50x2048xi32, #tpu.memory_space<hbm>>
    %dma_wait3A_99 = tpu.memref_squeeze %dma_wait3A_98 : memref<1x50x2048xi32, #tpu.memory_space<hbm>> -> memref<50x2048xi32, #tpu.memory_space<hbm>>
    %dma_wait3A_100 = arith.constant 0 : i32
    %dma_wait3A_101 = arith.constant 2048 : i32
    %dma_wait3A_102 = tpu.memref_slice %arg5[%add3A_88, %dma_wait3A_100, %dma_wait3A_101] : memref<128x50x4096xi32, #tpu.memory_space<hbm>> -> memref<1x50x2048xi32, #tpu.memory_space<hbm>>
    %dma_wait3A_103 = tpu.memref_squeeze %dma_wait3A_102 : memref<1x50x2048xi32, #tpu.memory_space<hbm>> -> memref<50x2048xi32, #tpu.memory_space<hbm>>
    tpu.wait_dma2 semaphore(%arg10 : memref<!tpu.dma_semaphore, #tpu.memory_space<semaphore_mem>>) src(%arg7 : memref<50x2048xi32, #tpu.memory_space<vmem>>) dst(%dma_wait3A_103 : memref<50x2048xi32, #tpu.memory_space<hbm>>)
    %mul3A_104 = arith.constant 4 : i32
    %mul3A_105 = arith.muli %add3A, %mul3A_104 : i32
    %add3A_106 = arith.constant 1 : i32
    %add3A_107 = arith.addi %mul3A_105, %add3A_106 : i32
    %dma_wait3A_108 = arith.constant 0 : i32
    %dma_wait3A_109 = arith.constant 0 : i32
    %dma_wait3A_110 = tpu.memref_slice %arg5[%add3A_107, %dma_wait3A_108, %dma_wait3A_109] : memref<128x50x4096xi32, #tpu.memory_space<hbm>> -> memref<1x50x2048xi32, #tpu.memory_space<hbm>>
    %dma_wait3A_111 = tpu.memref_squeeze %dma_wait3A_110 : memref<1x50x2048xi32, #tpu.memory_space<hbm>> -> memref<50x2048xi32, #tpu.memory_space<hbm>>
    %dma_wait3A_112 = arith.constant 0 : i32
    %dma_wait3A_113 = arith.constant 0 : i32
    %dma_wait3A_114 = tpu.memref_slice %arg5[%add3A_107, %dma_wait3A_112, %dma_wait3A_113] : memref<128x50x4096xi32, #tpu.memory_space<hbm>> -> memref<1x50x2048xi32, #tpu.memory_space<hbm>>
    %dma_wait3A_115 = tpu.memref_squeeze %dma_wait3A_114 : memref<1x50x2048xi32, #tpu.memory_space<hbm>> -> memref<50x2048xi32, #tpu.memory_space<hbm>>
    tpu.wait_dma2 semaphore(%arg10 : memref<!tpu.dma_semaphore, #tpu.memory_space<semaphore_mem>>) src(%arg7 : memref<50x2048xi32, #tpu.memory_space<vmem>>) dst(%dma_wait3A_115 : memref<50x2048xi32, #tpu.memory_space<hbm>>)
    %dma_wait3A_116 = arith.constant 0 : i32
    %dma_wait3A_117 = arith.constant 2048 : i32
    %dma_wait3A_118 = tpu.memref_slice %arg5[%add3A_107, %dma_wait3A_116, %dma_wait3A_117] : memref<128x50x4096xi32, #tpu.memory_space<hbm>> -> memref<1x50x2048xi32, #tpu.memory_space<hbm>>
    %dma_wait3A_119 = tpu.memref_squeeze %dma_wait3A_118 : memref<1x50x2048xi32, #tpu.memory_space<hbm>> -> memref<50x2048xi32, #tpu.memory_space<hbm>>
    %dma_wait3A_120 = arith.constant 0 : i32
    %dma_wait3A_121 = arith.constant 2048 : i32
    %dma_wait3A_122 = tpu.memref_slice %arg5[%add3A_107, %dma_wait3A_120, %dma_wait3A_121] : memref<128x50x4096xi32, #tpu.memory_space<hbm>> -> memref<1x50x2048xi32, #tpu.memory_space<hbm>>
    %dma_wait3A_123 = tpu.memref_squeeze %dma_wait3A_122 : memref<1x50x2048xi32, #tpu.memory_space<hbm>> -> memref<50x2048xi32, #tpu.memory_space<hbm>>
    tpu.wait_dma2 semaphore(%arg10 : memref<!tpu.dma_semaphore, #tpu.memory_space<semaphore_mem>>) src(%arg7 : memref<50x2048xi32, #tpu.memory_space<vmem>>) dst(%dma_wait3A_123 : memref<50x2048xi32, #tpu.memory_space<hbm>>)
    %mul3A_124 = arith.constant 4 : i32
    %mul3A_125 = arith.muli %add3A, %mul3A_124 : i32
    %add3A_126 = arith.constant 2 : i32
    %add3A_127 = arith.addi %mul3A_125, %add3A_126 : i32
    %dma_wait3A_128 = arith.constant 0 : i32
    %dma_wait3A_129 = arith.constant 0 : i32
    %dma_wait3A_130 = tpu.memref_slice %arg5[%add3A_127, %dma_wait3A_128, %dma_wait3A_129] : memref<128x50x4096xi32, #tpu.memory_space<hbm>> -> memref<1x50x2048xi32, #tpu.memory_space<hbm>>
    %dma_wait3A_131 = tpu.memref_squeeze %dma_wait3A_130 : memref<1x50x2048xi32, #tpu.memory_space<hbm>> -> memref<50x2048xi32, #tpu.memory_space<hbm>>
    %dma_wait3A_132 = arith.constant 0 : i32
    %dma_wait3A_133 = arith.constant 0 : i32
    %dma_wait3A_134 = tpu.memref_slice %arg5[%add3A_127, %dma_wait3A_132, %dma_wait3A_133] : memref<128x50x4096xi32, #tpu.memory_space<hbm>> -> memref<1x50x2048xi32, #tpu.memory_space<hbm>>
    %dma_wait3A_135 = tpu.memref_squeeze %dma_wait3A_134 : memref<1x50x2048xi32, #tpu.memory_space<hbm>> -> memref<50x2048xi32, #tpu.memory_space<hbm>>
    tpu.wait_dma2 semaphore(%arg10 : memref<!tpu.dma_semaphore, #tpu.memory_space<semaphore_mem>>) src(%arg7 : memref<50x2048xi32, #tpu.memory_space<vmem>>) dst(%dma_wait3A_135 : memref<50x2048xi32, #tpu.memory_space<hbm>>)
    %dma_wait3A_136 = arith.constant 0 : i32
    %dma_wait3A_137 = arith.constant 2048 : i32
    %dma_wait3A_138 = tpu.memref_slice %arg5[%add3A_127, %dma_wait3A_136, %dma_wait3A_137] : memref<128x50x4096xi32, #tpu.memory_space<hbm>> -> memref<1x50x2048xi32, #tpu.memory_space<hbm>>
    %dma_wait3A_139 = tpu.memref_squeeze %dma_wait3A_138 : memref<1x50x2048xi32, #tpu.memory_space<hbm>> -> memref<50x2048xi32, #tpu.memory_space<hbm>>
    %dma_wait3A_140 = arith.constant 0 : i32
    %dma_wait3A_141 = arith.constant 2048 : i32
    %dma_wait3A_142 = tpu.memref_slice %arg5[%add3A_127, %dma_wait3A_140, %dma_wait3A_141] : memref<128x50x4096xi32, #tpu.memory_space<hbm>> -> memref<1x50x2048xi32, #tpu.memory_space<hbm>>
    %dma_wait3A_143 = tpu.memref_squeeze %dma_wait3A_142 : memref<1x50x2048xi32, #tpu.memory_space<hbm>> -> memref<50x2048xi32, #tpu.memory_space<hbm>>
    tpu.wait_dma2 semaphore(%arg10 : memref<!tpu.dma_semaphore, #tpu.memory_space<semaphore_mem>>) src(%arg7 : memref<50x2048xi32, #tpu.memory_space<vmem>>) dst(%dma_wait3A_143 : memref<50x2048xi32, #tpu.memory_space<hbm>>)
    %mul3A_144 = arith.constant 4 : i32
    %mul3A_145 = arith.muli %add3A, %mul3A_144 : i32
    %add3A_146 = arith.constant 3 : i32
    %add3A_147 = arith.addi %mul3A_145, %add3A_146 : i32
    %dma_wait3A_148 = arith.constant 0 : i32
    %dma_wait3A_149 = arith.constant 0 : i32
    %dma_wait3A_150 = tpu.memref_slice %arg5[%add3A_147, %dma_wait3A_148, %dma_wait3A_149] : memref<128x50x4096xi32, #tpu.memory_space<hbm>> -> memref<1x50x2048xi32, #tpu.memory_space<hbm>>
    %dma_wait3A_151 = tpu.memref_squeeze %dma_wait3A_150 : memref<1x50x2048xi32, #tpu.memory_space<hbm>> -> memref<50x2048xi32, #tpu.memory_space<hbm>>
    %dma_wait3A_152 = arith.constant 0 : i32
    %dma_wait3A_153 = arith.constant 0 : i32
    %dma_wait3A_154 = tpu.memref_slice %arg5[%add3A_147, %dma_wait3A_152, %dma_wait3A_153] : memref<128x50x4096xi32, #tpu.memory_space<hbm>> -> memref<1x50x2048xi32, #tpu.memory_space<hbm>>
    %dma_wait3A_155 = tpu.memref_squeeze %dma_wait3A_154 : memref<1x50x2048xi32, #tpu.memory_space<hbm>> -> memref<50x2048xi32, #tpu.memory_space<hbm>>
    tpu.wait_dma2 semaphore(%arg10 : memref<!tpu.dma_semaphore, #tpu.memory_space<semaphore_mem>>) src(%arg7 : memref<50x2048xi32, #tpu.memory_space<vmem>>) dst(%dma_wait3A_155 : memref<50x2048xi32, #tpu.memory_space<hbm>>)
    %dma_wait3A_156 = arith.constant 0 : i32
    %dma_wait3A_157 = arith.constant 2048 : i32
    %dma_wait3A_158 = tpu.memref_slice %arg5[%add3A_147, %dma_wait3A_156, %dma_wait3A_157] : memref<128x50x4096xi32, #tpu.memory_space<hbm>> -> memref<1x50x2048xi32, #tpu.memory_space<hbm>>
    %dma_wait3A_159 = tpu.memref_squeeze %dma_wait3A_158 : memref<1x50x2048xi32, #tpu.memory_space<hbm>> -> memref<50x2048xi32, #tpu.memory_space<hbm>>
    %dma_wait3A_160 = arith.constant 0 : i32
    %dma_wait3A_161 = arith.constant 2048 : i32
    %dma_wait3A_162 = tpu.memref_slice %arg5[%add3A_147, %dma_wait3A_160, %dma_wait3A_161] : memref<128x50x4096xi32, #tpu.memory_space<hbm>> -> memref<1x50x2048xi32, #tpu.memory_space<hbm>>
    %dma_wait3A_163 = tpu.memref_squeeze %dma_wait3A_162 : memref<1x50x2048xi32, #tpu.memory_space<hbm>> -> memref<50x2048xi32, #tpu.memory_space<hbm>>
    tpu.wait_dma2 semaphore(%arg10 : memref<!tpu.dma_semaphore, #tpu.memory_space<semaphore_mem>>) src(%arg7 : memref<50x2048xi32, #tpu.memory_space<vmem>>) dst(%dma_wait3A_163 : memref<50x2048xi32, #tpu.memory_space<hbm>>)
    %jit3A = arith.constant 4 : i64
    %convert_element_type3A = arith.trunci %jit3A : i64 to i32
    %div3A = arith.divsi %squeeze3A, %convert_element_type3A : i32
    %sign3A = arith.constant 0 : i32
    %sign3A_164 = arith.cmpi sgt, %squeeze3A, %sign3A : i32
    %sign3A_165 = arith.extui %sign3A_164 : i1 to i32
    %sign3A_166 = arith.constant 0 : i32
    %sign3A_167 = arith.cmpi slt, %squeeze3A, %sign3A_166 : i32
    %sign3A_168 = arith.extui %sign3A_167 : i1 to i32
    %sign3A_169 = arith.subi %sign3A_165, %sign3A_168 : i32
    %sign3A_170 = arith.constant 0 : i32
    %sign3A_171 = arith.cmpi sgt, %convert_element_type3A, %sign3A_170 : i32
    %sign3A_172 = arith.extui %sign3A_171 : i1 to i32
    %sign3A_173 = arith.constant 0 : i32
    %sign3A_174 = arith.cmpi slt, %convert_element_type3A, %sign3A_173 : i32
    %sign3A_175 = arith.extui %sign3A_174 : i1 to i32
    %sign3A_176 = arith.subi %sign3A_172, %sign3A_175 : i32
    %ne3A = arith.cmpi ne, %sign3A_169, %sign3A_176 : i32
    %rem3A_177 = arith.remsi %squeeze3A, %convert_element_type3A : i32
    %ne3A_178 = arith.constant 0 : i32
    %ne3A_179 = arith.cmpi ne, %rem3A_177, %ne3A_178 : i32
    %and3A = arith.andi %ne3A, %ne3A_179 : i1
    %sub3A = arith.constant 1 : i32
    %sub3A_180 = arith.subi %div3A, %sub3A : i32
    %select_n3A = arith.select %and3A, %sub3A_180, %div3A : i32
    %eq3A = arith.cmpi eq, %select_n3A, %add3A : i32
    %convert_element_type3A_181 = arith.extui %eq3A : i1 to i32
    %cond3A = arith.constant 0 : i32
    %cond3A_182 = arith.cmpi ne, %convert_element_type3A_181, %cond3A : i32
    scf.if %cond3A_182 {
      %add3A_183 = arith.constant 0 : i32
      %add3A_184 = arith.addi %rem3A_5, %add3A_183 : i32
      %rem3A_185 = arith.constant 50 : i32
      %rem3A_186 = arith.remsi %add3A_184, %rem3A_185 : i32
      %dma_start3A_187 = arith.constant 0 : i32
      %dma_start3A_188 = arith.constant 0 : i32
      %dma_start3A_189 = tpu.memref_slice %arg5[%squeeze3A, %rem3A_186, %dma_start3A_188] : memref<128x50x4096xi32, #tpu.memory_space<hbm>> -> memref<1x1x2048xi32, #tpu.memory_space<hbm>>
      %dma_start3A_190 = tpu.memref_squeeze %dma_start3A_189 : memref<1x1x2048xi32, #tpu.memory_space<hbm>> -> memref<2048xi32, #tpu.memory_space<hbm>>
      %dma_start3A_191 = arith.constant 0 : i32
      %dma_start3A_192 = tpu.memref_slice %arg4[%dma_start3A_187, %dma_start3A_191] : memref<32x2048xi32, #tpu.memory_space<hbm>> -> memref<1x2048xi32, #tpu.memory_space<hbm>>
      %dma_start3A_193 = tpu.memref_squeeze %dma_start3A_192 : memref<1x2048xi32, #tpu.memory_space<hbm>> -> memref<2048xi32, #tpu.memory_space<hbm>>
      tpu.enqueue_dma source(%dma_start3A_193 : memref<2048xi32, #tpu.memory_space<hbm>>) target(%dma_start3A_190 : memref<2048xi32, #tpu.memory_space<hbm>>) target_semaphore(%arg11 : memref<!tpu.dma_semaphore, #tpu.memory_space<semaphore_mem>>)
      %add3A_194 = arith.constant 1 : i32
      %add3A_195 = arith.addi %rem3A_5, %add3A_194 : i32
      %rem3A_196 = arith.constant 50 : i32
      %rem3A_197 = arith.remsi %add3A_195, %rem3A_196 : i32
      %dma_start3A_198 = arith.constant 1 : i32
      %dma_start3A_199 = arith.constant 0 : i32
      %dma_start3A_200 = tpu.memref_slice %arg5[%squeeze3A, %rem3A_197, %dma_start3A_199] : memref<128x50x4096xi32, #tpu.memory_space<hbm>> -> memref<1x1x2048xi32, #tpu.memory_space<hbm>>
      %dma_start3A_201 = tpu.memref_squeeze %dma_start3A_200 : memref<1x1x2048xi32, #tpu.memory_space<hbm>> -> memref<2048xi32, #tpu.memory_space<hbm>>
      %dma_start3A_202 = arith.constant 0 : i32
      %dma_start3A_203 = tpu.memref_slice %arg4[%dma_start3A_198, %dma_start3A_202] : memref<32x2048xi32, #tpu.memory_space<hbm>> -> memref<1x2048xi32, #tpu.memory_space<hbm>>
      %dma_start3A_204 = tpu.memref_squeeze %dma_start3A_203 : memref<1x2048xi32, #tpu.memory_space<hbm>> -> memref<2048xi32, #tpu.memory_space<hbm>>
      tpu.enqueue_dma source(%dma_start3A_204 : memref<2048xi32, #tpu.memory_space<hbm>>) target(%dma_start3A_201 : memref<2048xi32, #tpu.memory_space<hbm>>) target_semaphore(%arg11 : memref<!tpu.dma_semaphore, #tpu.memory_space<semaphore_mem>>)
      %add3A_205 = arith.constant 2 : i32
      %add3A_206 = arith.addi %rem3A_5, %add3A_205 : i32
      %rem3A_207 = arith.constant 50 : i32
      %rem3A_208 = arith.remsi %add3A_206, %rem3A_207 : i32
      %dma_start3A_209 = arith.constant 2 : i32
      %dma_start3A_210 = arith.constant 0 : i32
      %dma_start3A_211 = tpu.memref_slice %arg5[%squeeze3A, %rem3A_208, %dma_start3A_210] : memref<128x50x4096xi32, #tpu.memory_space<hbm>> -> memref<1x1x2048xi32, #tpu.memory_space<hbm>>
      %dma_start3A_212 = tpu.memref_squeeze %dma_start3A_211 : memref<1x1x2048xi32, #tpu.memory_space<hbm>> -> memref<2048xi32, #tpu.memory_space<hbm>>
      %dma_start3A_213 = arith.constant 0 : i32
      %dma_start3A_214 = tpu.memref_slice %arg4[%dma_start3A_209, %dma_start3A_213] : memref<32x2048xi32, #tpu.memory_space<hbm>> -> memref<1x2048xi32, #tpu.memory_space<hbm>>
      %dma_start3A_215 = tpu.memref_squeeze %dma_start3A_214 : memref<1x2048xi32, #tpu.memory_space<hbm>> -> memref<2048xi32, #tpu.memory_space<hbm>>
      tpu.enqueue_dma source(%dma_start3A_215 : memref<2048xi32, #tpu.memory_space<hbm>>) target(%dma_start3A_212 : memref<2048xi32, #tpu.memory_space<hbm>>) target_semaphore(%arg11 : memref<!tpu.dma_semaphore, #tpu.memory_space<semaphore_mem>>)
      %add3A_216 = arith.constant 3 : i32
      %add3A_217 = arith.addi %rem3A_5, %add3A_216 : i32
      %rem3A_218 = arith.constant 50 : i32
      %rem3A_219 = arith.remsi %add3A_217, %rem3A_218 : i32
      %dma_start3A_220 = arith.constant 3 : i32
      %dma_start3A_221 = arith.constant 0 : i32
      %dma_start3A_222 = tpu.memref_slice %arg5[%squeeze3A, %rem3A_219, %dma_start3A_221] : memref<128x50x4096xi32, #tpu.memory_space<hbm>> -> memref<1x1x2048xi32, #tpu.memory_space<hbm>>
      %dma_start3A_223 = tpu.memref_squeeze %dma_start3A_222 : memref<1x1x2048xi32, #tpu.memory_space<hbm>> -> memref<2048xi32, #tpu.memory_space<hbm>>
      %dma_start3A_224 = arith.constant 0 : i32
      %dma_start3A_225 = tpu.memref_slice %arg4[%dma_start3A_220, %dma_start3A_224] : memref<32x2048xi32, #tpu.memory_space<hbm>> -> memref<1x2048xi32, #tpu.memory_space<hbm>>
      %dma_start3A_226 = tpu.memref_squeeze %dma_start3A_225 : memref<1x2048xi32, #tpu.memory_space<hbm>> -> memref<2048xi32, #tpu.memory_space<hbm>>
      tpu.enqueue_dma source(%dma_start3A_226 : memref<2048xi32, #tpu.memory_space<hbm>>) target(%dma_start3A_223 : memref<2048xi32, #tpu.memory_space<hbm>>) target_semaphore(%arg11 : memref<!tpu.dma_semaphore, #tpu.memory_space<semaphore_mem>>)
      %add3A_227 = arith.constant 4 : i32
      %add3A_228 = arith.addi %rem3A_5, %add3A_227 : i32
      %rem3A_229 = arith.constant 50 : i32
      %rem3A_230 = arith.remsi %add3A_228, %rem3A_229 : i32
      %dma_start3A_231 = arith.constant 4 : i32
      %dma_start3A_232 = arith.constant 0 : i32
      %dma_start3A_233 = tpu.memref_slice %arg5[%squeeze3A, %rem3A_230, %dma_start3A_232] : memref<128x50x4096xi32, #tpu.memory_space<hbm>> -> memref<1x1x2048xi32, #tpu.memory_space<hbm>>
      %dma_start3A_234 = tpu.memref_squeeze %dma_start3A_233 : memref<1x1x2048xi32, #tpu.memory_space<hbm>> -> memref<2048xi32, #tpu.memory_space<hbm>>
      %dma_start3A_235 = arith.constant 0 : i32
      %dma_start3A_236 = tpu.memref_slice %arg4[%dma_start3A_231, %dma_start3A_235] : memref<32x2048xi32, #tpu.memory_space<hbm>> -> memref<1x2048xi32, #tpu.memory_space<hbm>>
      %dma_start3A_237 = tpu.memref_squeeze %dma_start3A_236 : memref<1x2048xi32, #tpu.memory_space<hbm>> -> memref<2048xi32, #tpu.memory_space<hbm>>
      tpu.enqueue_dma source(%dma_start3A_237 : memref<2048xi32, #tpu.memory_space<hbm>>) target(%dma_start3A_234 : memref<2048xi32, #tpu.memory_space<hbm>>) target_semaphore(%arg11 : memref<!tpu.dma_semaphore, #tpu.memory_space<semaphore_mem>>)
      %add3A_238 = arith.constant 5 : i32
      %add3A_239 = arith.addi %rem3A_5, %add3A_238 : i32
      %rem3A_240 = arith.constant 50 : i32
      %rem3A_241 = arith.remsi %add3A_239, %rem3A_240 : i32
      %dma_start3A_242 = arith.constant 5 : i32
      %dma_start3A_243 = arith.constant 0 : i32
      %dma_start3A_244 = tpu.memref_slice %arg5[%squeeze3A, %rem3A_241, %dma_start3A_243] : memref<128x50x4096xi32, #tpu.memory_space<hbm>> -> memref<1x1x2048xi32, #tpu.memory_space<hbm>>
      %dma_start3A_245 = tpu.memref_squeeze %dma_start3A_244 : memref<1x1x2048xi32, #tpu.memory_space<hbm>> -> memref<2048xi32, #tpu.memory_space<hbm>>
      %dma_start3A_246 = arith.constant 0 : i32
      %dma_start3A_247 = tpu.memref_slice %arg4[%dma_start3A_242, %dma_start3A_246] : memref<32x2048xi32, #tpu.memory_space<hbm>> -> memref<1x2048xi32, #tpu.memory_space<hbm>>
      %dma_start3A_248 = tpu.memref_squeeze %dma_start3A_247 : memref<1x2048xi32, #tpu.memory_space<hbm>> -> memref<2048xi32, #tpu.memory_space<hbm>>
      tpu.enqueue_dma source(%dma_start3A_248 : memref<2048xi32, #tpu.memory_space<hbm>>) target(%dma_start3A_245 : memref<2048xi32, #tpu.memory_space<hbm>>) target_semaphore(%arg11 : memref<!tpu.dma_semaphore, #tpu.memory_space<semaphore_mem>>)
      %add3A_249 = arith.constant 6 : i32
      %add3A_250 = arith.addi %rem3A_5, %add3A_249 : i32
      %rem3A_251 = arith.constant 50 : i32
      %rem3A_252 = arith.remsi %add3A_250, %rem3A_251 : i32
      %dma_start3A_253 = arith.constant 6 : i32
      %dma_start3A_254 = arith.constant 0 : i32
      %dma_start3A_255 = tpu.memref_slice %arg5[%squeeze3A, %rem3A_252, %dma_start3A_254] : memref<128x50x4096xi32, #tpu.memory_space<hbm>> -> memref<1x1x2048xi32, #tpu.memory_space<hbm>>
      %dma_start3A_256 = tpu.memref_squeeze %dma_start3A_255 : memref<1x1x2048xi32, #tpu.memory_space<hbm>> -> memref<2048xi32, #tpu.memory_space<hbm>>
      %dma_start3A_257 = arith.constant 0 : i32
      %dma_start3A_258 = tpu.memref_slice %arg4[%dma_start3A_253, %dma_start3A_257] : memref<32x2048xi32, #tpu.memory_space<hbm>> -> memref<1x2048xi32, #tpu.memory_space<hbm>>
      %dma_start3A_259 = tpu.memref_squeeze %dma_start3A_258 : memref<1x2048xi32, #tpu.memory_space<hbm>> -> memref<2048xi32, #tpu.memory_space<hbm>>
      tpu.enqueue_dma source(%dma_start3A_259 : memref<2048xi32, #tpu.memory_space<hbm>>) target(%dma_start3A_256 : memref<2048xi32, #tpu.memory_space<hbm>>) target_semaphore(%arg11 : memref<!tpu.dma_semaphore, #tpu.memory_space<semaphore_mem>>)
      %add3A_260 = arith.constant 7 : i32
      %add3A_261 = arith.addi %rem3A_5, %add3A_260 : i32
      %rem3A_262 = arith.constant 50 : i32
      %rem3A_263 = arith.remsi %add3A_261, %rem3A_262 : i32
      %dma_start3A_264 = arith.constant 7 : i32
      %dma_start3A_265 = arith.constant 0 : i32
      %dma_start3A_266 = tpu.memref_slice %arg5[%squeeze3A, %rem3A_263, %dma_start3A_265] : memref<128x50x4096xi32, #tpu.memory_space<hbm>> -> memref<1x1x2048xi32, #tpu.memory_space<hbm>>
      %dma_start3A_267 = tpu.memref_squeeze %dma_start3A_266 : memref<1x1x2048xi32, #tpu.memory_space<hbm>> -> memref<2048xi32, #tpu.memory_space<hbm>>
      %dma_start3A_268 = arith.constant 0 : i32
      %dma_start3A_269 = tpu.memref_slice %arg4[%dma_start3A_264, %dma_start3A_268] : memref<32x2048xi32, #tpu.memory_space<hbm>> -> memref<1x2048xi32, #tpu.memory_space<hbm>>
      %dma_start3A_270 = tpu.memref_squeeze %dma_start3A_269 : memref<1x2048xi32, #tpu.memory_space<hbm>> -> memref<2048xi32, #tpu.memory_space<hbm>>
      tpu.enqueue_dma source(%dma_start3A_270 : memref<2048xi32, #tpu.memory_space<hbm>>) target(%dma_start3A_267 : memref<2048xi32, #tpu.memory_space<hbm>>) target_semaphore(%arg11 : memref<!tpu.dma_semaphore, #tpu.memory_space<semaphore_mem>>)
      %add3A_271 = arith.constant 8 : i32
      %add3A_272 = arith.addi %rem3A_5, %add3A_271 : i32
      %rem3A_273 = arith.constant 50 : i32
      %rem3A_274 = arith.remsi %add3A_272, %rem3A_273 : i32
      %dma_start3A_275 = arith.constant 8 : i32
      %dma_start3A_276 = arith.constant 0 : i32
      %dma_start3A_277 = tpu.memref_slice %arg5[%squeeze3A, %rem3A_274, %dma_start3A_276] : memref<128x50x4096xi32, #tpu.memory_space<hbm>> -> memref<1x1x2048xi32, #tpu.memory_space<hbm>>
      %dma_start3A_278 = tpu.memref_squeeze %dma_start3A_277 : memref<1x1x2048xi32, #tpu.memory_space<hbm>> -> memref<2048xi32, #tpu.memory_space<hbm>>
      %dma_start3A_279 = arith.constant 0 : i32
      %dma_start3A_280 = tpu.memref_slice %arg4[%dma_start3A_275, %dma_start3A_279] : memref<32x2048xi32, #tpu.memory_space<hbm>> -> memref<1x2048xi32, #tpu.memory_space<hbm>>
      %dma_start3A_281 = tpu.memref_squeeze %dma_start3A_280 : memref<1x2048xi32, #tpu.memory_space<hbm>> -> memref<2048xi32, #tpu.memory_space<hbm>>
      tpu.enqueue_dma source(%dma_start3A_281 : memref<2048xi32, #tpu.memory_space<hbm>>) target(%dma_start3A_278 : memref<2048xi32, #tpu.memory_space<hbm>>) target_semaphore(%arg11 : memref<!tpu.dma_semaphore, #tpu.memory_space<semaphore_mem>>)
      %add3A_282 = arith.constant 9 : i32
      %add3A_283 = arith.addi %rem3A_5, %add3A_282 : i32
      %rem3A_284 = arith.constant 50 : i32
      %rem3A_285 = arith.remsi %add3A_283, %rem3A_284 : i32
      %dma_start3A_286 = arith.constant 9 : i32
      %dma_start3A_287 = arith.constant 0 : i32
      %dma_start3A_288 = tpu.memref_slice %arg5[%squeeze3A, %rem3A_285, %dma_start3A_287] : memref<128x50x4096xi32, #tpu.memory_space<hbm>> -> memref<1x1x2048xi32, #tpu.memory_space<hbm>>
      %dma_start3A_289 = tpu.memref_squeeze %dma_start3A_288 : memref<1x1x2048xi32, #tpu.memory_space<hbm>> -> memref<2048xi32, #tpu.memory_space<hbm>>
      %dma_start3A_290 = arith.constant 0 : i32
      %dma_start3A_291 = tpu.memref_slice %arg4[%dma_start3A_286, %dma_start3A_290] : memref<32x2048xi32, #tpu.memory_space<hbm>> -> memref<1x2048xi32, #tpu.memory_space<hbm>>
      %dma_start3A_292 = tpu.memref_squeeze %dma_start3A_291 : memref<1x2048xi32, #tpu.memory_space<hbm>> -> memref<2048xi32, #tpu.memory_space<hbm>>
      tpu.enqueue_dma source(%dma_start3A_292 : memref<2048xi32, #tpu.memory_space<hbm>>) target(%dma_start3A_289 : memref<2048xi32, #tpu.memory_space<hbm>>) target_semaphore(%arg11 : memref<!tpu.dma_semaphore, #tpu.memory_space<semaphore_mem>>)
      %add3A_293 = arith.constant 10 : i32
      %add3A_294 = arith.addi %rem3A_5, %add3A_293 : i32
      %rem3A_295 = arith.constant 50 : i32
      %rem3A_296 = arith.remsi %add3A_294, %rem3A_295 : i32
      %dma_start3A_297 = arith.constant 10 : i32
      %dma_start3A_298 = arith.constant 0 : i32
      %dma_start3A_299 = tpu.memref_slice %arg5[%squeeze3A, %rem3A_296, %dma_start3A_298] : memref<128x50x4096xi32, #tpu.memory_space<hbm>> -> memref<1x1x2048xi32, #tpu.memory_space<hbm>>
      %dma_start3A_300 = tpu.memref_squeeze %dma_start3A_299 : memref<1x1x2048xi32, #tpu.memory_space<hbm>> -> memref<2048xi32, #tpu.memory_space<hbm>>
      %dma_start3A_301 = arith.constant 0 : i32
      %dma_start3A_302 = tpu.memref_slice %arg4[%dma_start3A_297, %dma_start3A_301] : memref<32x2048xi32, #tpu.memory_space<hbm>> -> memref<1x2048xi32, #tpu.memory_space<hbm>>
      %dma_start3A_303 = tpu.memref_squeeze %dma_start3A_302 : memref<1x2048xi32, #tpu.memory_space<hbm>> -> memref<2048xi32, #tpu.memory_space<hbm>>
      tpu.enqueue_dma source(%dma_start3A_303 : memref<2048xi32, #tpu.memory_space<hbm>>) target(%dma_start3A_300 : memref<2048xi32, #tpu.memory_space<hbm>>) target_semaphore(%arg11 : memref<!tpu.dma_semaphore, #tpu.memory_space<semaphore_mem>>)
      %add3A_304 = arith.constant 11 : i32
      %add3A_305 = arith.addi %rem3A_5, %add3A_304 : i32
      %rem3A_306 = arith.constant 50 : i32
      %rem3A_307 = arith.remsi %add3A_305, %rem3A_306 : i32
      %dma_start3A_308 = arith.constant 11 : i32
      %dma_start3A_309 = arith.constant 0 : i32
      %dma_start3A_310 = tpu.memref_slice %arg5[%squeeze3A, %rem3A_307, %dma_start3A_309] : memref<128x50x4096xi32, #tpu.memory_space<hbm>> -> memref<1x1x2048xi32, #tpu.memory_space<hbm>>
      %dma_start3A_311 = tpu.memref_squeeze %dma_start3A_310 : memref<1x1x2048xi32, #tpu.memory_space<hbm>> -> memref<2048xi32, #tpu.memory_space<hbm>>
      %dma_start3A_312 = arith.constant 0 : i32
      %dma_start3A_313 = tpu.memref_slice %arg4[%dma_start3A_308, %dma_start3A_312] : memref<32x2048xi32, #tpu.memory_space<hbm>> -> memref<1x2048xi32, #tpu.memory_space<hbm>>
      %dma_start3A_314 = tpu.memref_squeeze %dma_start3A_313 : memref<1x2048xi32, #tpu.memory_space<hbm>> -> memref<2048xi32, #tpu.memory_space<hbm>>
      tpu.enqueue_dma source(%dma_start3A_314 : memref<2048xi32, #tpu.memory_space<hbm>>) target(%dma_start3A_311 : memref<2048xi32, #tpu.memory_space<hbm>>) target_semaphore(%arg11 : memref<!tpu.dma_semaphore, #tpu.memory_space<semaphore_mem>>)
      %add3A_315 = arith.constant 12 : i32
      %add3A_316 = arith.addi %rem3A_5, %add3A_315 : i32
      %rem3A_317 = arith.constant 50 : i32
      %rem3A_318 = arith.remsi %add3A_316, %rem3A_317 : i32
      %dma_start3A_319 = arith.constant 12 : i32
      %dma_start3A_320 = arith.constant 0 : i32
      %dma_start3A_321 = tpu.memref_slice %arg5[%squeeze3A, %rem3A_318, %dma_start3A_320] : memref<128x50x4096xi32, #tpu.memory_space<hbm>> -> memref<1x1x2048xi32, #tpu.memory_space<hbm>>
      %dma_start3A_322 = tpu.memref_squeeze %dma_start3A_321 : memref<1x1x2048xi32, #tpu.memory_space<hbm>> -> memref<2048xi32, #tpu.memory_space<hbm>>
      %dma_start3A_323 = arith.constant 0 : i32
      %dma_start3A_324 = tpu.memref_slice %arg4[%dma_start3A_319, %dma_start3A_323] : memref<32x2048xi32, #tpu.memory_space<hbm>> -> memref<1x2048xi32, #tpu.memory_space<hbm>>
      %dma_start3A_325 = tpu.memref_squeeze %dma_start3A_324 : memref<1x2048xi32, #tpu.memory_space<hbm>> -> memref<2048xi32, #tpu.memory_space<hbm>>
      tpu.enqueue_dma source(%dma_start3A_325 : memref<2048xi32, #tpu.memory_space<hbm>>) target(%dma_start3A_322 : memref<2048xi32, #tpu.memory_space<hbm>>) target_semaphore(%arg11 : memref<!tpu.dma_semaphore, #tpu.memory_space<semaphore_mem>>)
      %add3A_326 = arith.constant 13 : i32
      %add3A_327 = arith.addi %rem3A_5, %add3A_326 : i32
      %rem3A_328 = arith.constant 50 : i32
      %rem3A_329 = arith.remsi %add3A_327, %rem3A_328 : i32
      %dma_start3A_330 = arith.constant 13 : i32
      %dma_start3A_331 = arith.constant 0 : i32
      %dma_start3A_332 = tpu.memref_slice %arg5[%squeeze3A, %rem3A_329, %dma_start3A_331] : memref<128x50x4096xi32, #tpu.memory_space<hbm>> -> memref<1x1x2048xi32, #tpu.memory_space<hbm>>
      %dma_start3A_333 = tpu.memref_squeeze %dma_start3A_332 : memref<1x1x2048xi32, #tpu.memory_space<hbm>> -> memref<2048xi32, #tpu.memory_space<hbm>>
      %dma_start3A_334 = arith.constant 0 : i32
      %dma_start3A_335 = tpu.memref_slice %arg4[%dma_start3A_330, %dma_start3A_334] : memref<32x2048xi32, #tpu.memory_space<hbm>> -> memref<1x2048xi32, #tpu.memory_space<hbm>>
      %dma_start3A_336 = tpu.memref_squeeze %dma_start3A_335 : memref<1x2048xi32, #tpu.memory_space<hbm>> -> memref<2048xi32, #tpu.memory_space<hbm>>
      tpu.enqueue_dma source(%dma_start3A_336 : memref<2048xi32, #tpu.memory_space<hbm>>) target(%dma_start3A_333 : memref<2048xi32, #tpu.memory_space<hbm>>) target_semaphore(%arg11 : memref<!tpu.dma_semaphore, #tpu.memory_space<semaphore_mem>>)
      %add3A_337 = arith.constant 14 : i32
      %add3A_338 = arith.addi %rem3A_5, %add3A_337 : i32
      %rem3A_339 = arith.constant 50 : i32
      %rem3A_340 = arith.remsi %add3A_338, %rem3A_339 : i32
      %dma_start3A_341 = arith.constant 14 : i32
      %dma_start3A_342 = arith.constant 0 : i32
      %dma_start3A_343 = tpu.memref_slice %arg5[%squeeze3A, %rem3A_340, %dma_start3A_342] : memref<128x50x4096xi32, #tpu.memory_space<hbm>> -> memref<1x1x2048xi32, #tpu.memory_space<hbm>>
      %dma_start3A_344 = tpu.memref_squeeze %dma_start3A_343 : memref<1x1x2048xi32, #tpu.memory_space<hbm>> -> memref<2048xi32, #tpu.memory_space<hbm>>
      %dma_start3A_345 = arith.constant 0 : i32
      %dma_start3A_346 = tpu.memref_slice %arg4[%dma_start3A_341, %dma_start3A_345] : memref<32x2048xi32, #tpu.memory_space<hbm>> -> memref<1x2048xi32, #tpu.memory_space<hbm>>
      %dma_start3A_347 = tpu.memref_squeeze %dma_start3A_346 : memref<1x2048xi32, #tpu.memory_space<hbm>> -> memref<2048xi32, #tpu.memory_space<hbm>>
      tpu.enqueue_dma source(%dma_start3A_347 : memref<2048xi32, #tpu.memory_space<hbm>>) target(%dma_start3A_344 : memref<2048xi32, #tpu.memory_space<hbm>>) target_semaphore(%arg11 : memref<!tpu.dma_semaphore, #tpu.memory_space<semaphore_mem>>)
      %add3A_348 = arith.constant 15 : i32
      %add3A_349 = arith.addi %rem3A_5, %add3A_348 : i32
      %rem3A_350 = arith.constant 50 : i32
      %rem3A_351 = arith.remsi %add3A_349, %rem3A_350 : i32
      %dma_start3A_352 = arith.constant 15 : i32
      %dma_start3A_353 = arith.constant 0 : i32
      %dma_start3A_354 = tpu.memref_slice %arg5[%squeeze3A, %rem3A_351, %dma_start3A_353] : memref<128x50x4096xi32, #tpu.memory_space<hbm>> -> memref<1x1x2048xi32, #tpu.memory_space<hbm>>
      %dma_start3A_355 = tpu.memref_squeeze %dma_start3A_354 : memref<1x1x2048xi32, #tpu.memory_space<hbm>> -> memref<2048xi32, #tpu.memory_space<hbm>>
      %dma_start3A_356 = arith.constant 0 : i32
      %dma_start3A_357 = tpu.memref_slice %arg4[%dma_start3A_352, %dma_start3A_356] : memref<32x2048xi32, #tpu.memory_space<hbm>> -> memref<1x2048xi32, #tpu.memory_space<hbm>>
      %dma_start3A_358 = tpu.memref_squeeze %dma_start3A_357 : memref<1x2048xi32, #tpu.memory_space<hbm>> -> memref<2048xi32, #tpu.memory_space<hbm>>
      tpu.enqueue_dma source(%dma_start3A_358 : memref<2048xi32, #tpu.memory_space<hbm>>) target(%dma_start3A_355 : memref<2048xi32, #tpu.memory_space<hbm>>) target_semaphore(%arg11 : memref<!tpu.dma_semaphore, #tpu.memory_space<semaphore_mem>>)
      %add3A_359 = arith.constant 16 : i32
      %add3A_360 = arith.addi %rem3A_5, %add3A_359 : i32
      %rem3A_361 = arith.constant 50 : i32
      %rem3A_362 = arith.remsi %add3A_360, %rem3A_361 : i32
      %dma_start3A_363 = arith.constant 16 : i32
      %dma_start3A_364 = arith.constant 0 : i32
      %dma_start3A_365 = tpu.memref_slice %arg5[%squeeze3A, %rem3A_362, %dma_start3A_364] : memref<128x50x4096xi32, #tpu.memory_space<hbm>> -> memref<1x1x2048xi32, #tpu.memory_space<hbm>>
      %dma_start3A_366 = tpu.memref_squeeze %dma_start3A_365 : memref<1x1x2048xi32, #tpu.memory_space<hbm>> -> memref<2048xi32, #tpu.memory_space<hbm>>
      %dma_start3A_367 = arith.constant 0 : i32
      %dma_start3A_368 = tpu.memref_slice %arg4[%dma_start3A_363, %dma_start3A_367] : memref<32x2048xi32, #tpu.memory_space<hbm>> -> memref<1x2048xi32, #tpu.memory_space<hbm>>
      %dma_start3A_369 = tpu.memref_squeeze %dma_start3A_368 : memref<1x2048xi32, #tpu.memory_space<hbm>> -> memref<2048xi32, #tpu.memory_space<hbm>>
      tpu.enqueue_dma source(%dma_start3A_369 : memref<2048xi32, #tpu.memory_space<hbm>>) target(%dma_start3A_366 : memref<2048xi32, #tpu.memory_space<hbm>>) target_semaphore(%arg11 : memref<!tpu.dma_semaphore, #tpu.memory_space<semaphore_mem>>)
      %add3A_370 = arith.constant 17 : i32
      %add3A_371 = arith.addi %rem3A_5, %add3A_370 : i32
      %rem3A_372 = arith.constant 50 : i32
      %rem3A_373 = arith.remsi %add3A_371, %rem3A_372 : i32
      %dma_start3A_374 = arith.constant 17 : i32
      %dma_start3A_375 = arith.constant 0 : i32
      %dma_start3A_376 = tpu.memref_slice %arg5[%squeeze3A, %rem3A_373, %dma_start3A_375] : memref<128x50x4096xi32, #tpu.memory_space<hbm>> -> memref<1x1x2048xi32, #tpu.memory_space<hbm>>
      %dma_start3A_377 = tpu.memref_squeeze %dma_start3A_376 : memref<1x1x2048xi32, #tpu.memory_space<hbm>> -> memref<2048xi32, #tpu.memory_space<hbm>>
      %dma_start3A_378 = arith.constant 0 : i32
      %dma_start3A_379 = tpu.memref_slice %arg4[%dma_start3A_374, %dma_start3A_378] : memref<32x2048xi32, #tpu.memory_space<hbm>> -> memref<1x2048xi32, #tpu.memory_space<hbm>>
      %dma_start3A_380 = tpu.memref_squeeze %dma_start3A_379 : memref<1x2048xi32, #tpu.memory_space<hbm>> -> memref<2048xi32, #tpu.memory_space<hbm>>
      tpu.enqueue_dma source(%dma_start3A_380 : memref<2048xi32, #tpu.memory_space<hbm>>) target(%dma_start3A_377 : memref<2048xi32, #tpu.memory_space<hbm>>) target_semaphore(%arg11 : memref<!tpu.dma_semaphore, #tpu.memory_space<semaphore_mem>>)
      %add3A_381 = arith.constant 18 : i32
      %add3A_382 = arith.addi %rem3A_5, %add3A_381 : i32
      %rem3A_383 = arith.constant 50 : i32
      %rem3A_384 = arith.remsi %add3A_382, %rem3A_383 : i32
      %dma_start3A_385 = arith.constant 18 : i32
      %dma_start3A_386 = arith.constant 0 : i32
      %dma_start3A_387 = tpu.memref_slice %arg5[%squeeze3A, %rem3A_384, %dma_start3A_386] : memref<128x50x4096xi32, #tpu.memory_space<hbm>> -> memref<1x1x2048xi32, #tpu.memory_space<hbm>>
      %dma_start3A_388 = tpu.memref_squeeze %dma_start3A_387 : memref<1x1x2048xi32, #tpu.memory_space<hbm>> -> memref<2048xi32, #tpu.memory_space<hbm>>
      %dma_start3A_389 = arith.constant 0 : i32
      %dma_start3A_390 = tpu.memref_slice %arg4[%dma_start3A_385, %dma_start3A_389] : memref<32x2048xi32, #tpu.memory_space<hbm>> -> memref<1x2048xi32, #tpu.memory_space<hbm>>
      %dma_start3A_391 = tpu.memref_squeeze %dma_start3A_390 : memref<1x2048xi32, #tpu.memory_space<hbm>> -> memref<2048xi32, #tpu.memory_space<hbm>>
      tpu.enqueue_dma source(%dma_start3A_391 : memref<2048xi32, #tpu.memory_space<hbm>>) target(%dma_start3A_388 : memref<2048xi32, #tpu.memory_space<hbm>>) target_semaphore(%arg11 : memref<!tpu.dma_semaphore, #tpu.memory_space<semaphore_mem>>)
      %add3A_392 = arith.constant 19 : i32
      %add3A_393 = arith.addi %rem3A_5, %add3A_392 : i32
      %rem3A_394 = arith.constant 50 : i32
      %rem3A_395 = arith.remsi %add3A_393, %rem3A_394 : i32
      %dma_start3A_396 = arith.constant 19 : i32
      %dma_start3A_397 = arith.constant 0 : i32
      %dma_start3A_398 = tpu.memref_slice %arg5[%squeeze3A, %rem3A_395, %dma_start3A_397] : memref<128x50x4096xi32, #tpu.memory_space<hbm>> -> memref<1x1x2048xi32, #tpu.memory_space<hbm>>
      %dma_start3A_399 = tpu.memref_squeeze %dma_start3A_398 : memref<1x1x2048xi32, #tpu.memory_space<hbm>> -> memref<2048xi32, #tpu.memory_space<hbm>>
      %dma_start3A_400 = arith.constant 0 : i32
      %dma_start3A_401 = tpu.memref_slice %arg4[%dma_start3A_396, %dma_start3A_400] : memref<32x2048xi32, #tpu.memory_space<hbm>> -> memref<1x2048xi32, #tpu.memory_space<hbm>>
      %dma_start3A_402 = tpu.memref_squeeze %dma_start3A_401 : memref<1x2048xi32, #tpu.memory_space<hbm>> -> memref<2048xi32, #tpu.memory_space<hbm>>
      tpu.enqueue_dma source(%dma_start3A_402 : memref<2048xi32, #tpu.memory_space<hbm>>) target(%dma_start3A_399 : memref<2048xi32, #tpu.memory_space<hbm>>) target_semaphore(%arg11 : memref<!tpu.dma_semaphore, #tpu.memory_space<semaphore_mem>>)
      %add3A_403 = arith.constant 20 : i32
      %add3A_404 = arith.addi %rem3A_5, %add3A_403 : i32
      %rem3A_405 = arith.constant 50 : i32
      %rem3A_406 = arith.remsi %add3A_404, %rem3A_405 : i32
      %dma_start3A_407 = arith.constant 20 : i32
      %dma_start3A_408 = arith.constant 0 : i32
      %dma_start3A_409 = tpu.memref_slice %arg5[%squeeze3A, %rem3A_406, %dma_start3A_408] : memref<128x50x4096xi32, #tpu.memory_space<hbm>> -> memref<1x1x2048xi32, #tpu.memory_space<hbm>>
      %dma_start3A_410 = tpu.memref_squeeze %dma_start3A_409 : memref<1x1x2048xi32, #tpu.memory_space<hbm>> -> memref<2048xi32, #tpu.memory_space<hbm>>
      %dma_start3A_411 = arith.constant 0 : i32
      %dma_start3A_412 = tpu.memref_slice %arg4[%dma_start3A_407, %dma_start3A_411] : memref<32x2048xi32, #tpu.memory_space<hbm>> -> memref<1x2048xi32, #tpu.memory_space<hbm>>
      %dma_start3A_413 = tpu.memref_squeeze %dma_start3A_412 : memref<1x2048xi32, #tpu.memory_space<hbm>> -> memref<2048xi32, #tpu.memory_space<hbm>>
      tpu.enqueue_dma source(%dma_start3A_413 : memref<2048xi32, #tpu.memory_space<hbm>>) target(%dma_start3A_410 : memref<2048xi32, #tpu.memory_space<hbm>>) target_semaphore(%arg11 : memref<!tpu.dma_semaphore, #tpu.memory_space<semaphore_mem>>)
      %add3A_414 = arith.constant 21 : i32
      %add3A_415 = arith.addi %rem3A_5, %add3A_414 : i32
      %rem3A_416 = arith.constant 50 : i32
      %rem3A_417 = arith.remsi %add3A_415, %rem3A_416 : i32
      %dma_start3A_418 = arith.constant 21 : i32
      %dma_start3A_419 = arith.constant 0 : i32
      %dma_start3A_420 = tpu.memref_slice %arg5[%squeeze3A, %rem3A_417, %dma_start3A_419] : memref<128x50x4096xi32, #tpu.memory_space<hbm>> -> memref<1x1x2048xi32, #tpu.memory_space<hbm>>
      %dma_start3A_421 = tpu.memref_squeeze %dma_start3A_420 : memref<1x1x2048xi32, #tpu.memory_space<hbm>> -> memref<2048xi32, #tpu.memory_space<hbm>>
      %dma_start3A_422 = arith.constant 0 : i32
      %dma_start3A_423 = tpu.memref_slice %arg4[%dma_start3A_418, %dma_start3A_422] : memref<32x2048xi32, #tpu.memory_space<hbm>> -> memref<1x2048xi32, #tpu.memory_space<hbm>>
      %dma_start3A_424 = tpu.memref_squeeze %dma_start3A_423 : memref<1x2048xi32, #tpu.memory_space<hbm>> -> memref<2048xi32, #tpu.memory_space<hbm>>
      tpu.enqueue_dma source(%dma_start3A_424 : memref<2048xi32, #tpu.memory_space<hbm>>) target(%dma_start3A_421 : memref<2048xi32, #tpu.memory_space<hbm>>) target_semaphore(%arg11 : memref<!tpu.dma_semaphore, #tpu.memory_space<semaphore_mem>>)
      %add3A_425 = arith.constant 22 : i32
      %add3A_426 = arith.addi %rem3A_5, %add3A_425 : i32
      %rem3A_427 = arith.constant 50 : i32
      %rem3A_428 = arith.remsi %add3A_426, %rem3A_427 : i32
      %dma_start3A_429 = arith.constant 22 : i32
      %dma_start3A_430 = arith.constant 0 : i32
      %dma_start3A_431 = tpu.memref_slice %arg5[%squeeze3A, %rem3A_428, %dma_start3A_430] : memref<128x50x4096xi32, #tpu.memory_space<hbm>> -> memref<1x1x2048xi32, #tpu.memory_space<hbm>>
      %dma_start3A_432 = tpu.memref_squeeze %dma_start3A_431 : memref<1x1x2048xi32, #tpu.memory_space<hbm>> -> memref<2048xi32, #tpu.memory_space<hbm>>
      %dma_start3A_433 = arith.constant 0 : i32
      %dma_start3A_434 = tpu.memref_slice %arg4[%dma_start3A_429, %dma_start3A_433] : memref<32x2048xi32, #tpu.memory_space<hbm>> -> memref<1x2048xi32, #tpu.memory_space<hbm>>
      %dma_start3A_435 = tpu.memref_squeeze %dma_start3A_434 : memref<1x2048xi32, #tpu.memory_space<hbm>> -> memref<2048xi32, #tpu.memory_space<hbm>>
      tpu.enqueue_dma source(%dma_start3A_435 : memref<2048xi32, #tpu.memory_space<hbm>>) target(%dma_start3A_432 : memref<2048xi32, #tpu.memory_space<hbm>>) target_semaphore(%arg11 : memref<!tpu.dma_semaphore, #tpu.memory_space<semaphore_mem>>)
      %add3A_436 = arith.constant 23 : i32
      %add3A_437 = arith.addi %rem3A_5, %add3A_436 : i32
      %rem3A_438 = arith.constant 50 : i32
      %rem3A_439 = arith.remsi %add3A_437, %rem3A_438 : i32
      %dma_start3A_440 = arith.constant 23 : i32
      %dma_start3A_441 = arith.constant 0 : i32
      %dma_start3A_442 = tpu.memref_slice %arg5[%squeeze3A, %rem3A_439, %dma_start3A_441] : memref<128x50x4096xi32, #tpu.memory_space<hbm>> -> memref<1x1x2048xi32, #tpu.memory_space<hbm>>
      %dma_start3A_443 = tpu.memref_squeeze %dma_start3A_442 : memref<1x1x2048xi32, #tpu.memory_space<hbm>> -> memref<2048xi32, #tpu.memory_space<hbm>>
      %dma_start3A_444 = arith.constant 0 : i32
      %dma_start3A_445 = tpu.memref_slice %arg4[%dma_start3A_440, %dma_start3A_444] : memref<32x2048xi32, #tpu.memory_space<hbm>> -> memref<1x2048xi32, #tpu.memory_space<hbm>>
      %dma_start3A_446 = tpu.memref_squeeze %dma_start3A_445 : memref<1x2048xi32, #tpu.memory_space<hbm>> -> memref<2048xi32, #tpu.memory_space<hbm>>
      tpu.enqueue_dma source(%dma_start3A_446 : memref<2048xi32, #tpu.memory_space<hbm>>) target(%dma_start3A_443 : memref<2048xi32, #tpu.memory_space<hbm>>) target_semaphore(%arg11 : memref<!tpu.dma_semaphore, #tpu.memory_space<semaphore_mem>>)
      %add3A_447 = arith.constant 24 : i32
      %add3A_448 = arith.addi %rem3A_5, %add3A_447 : i32
      %rem3A_449 = arith.constant 50 : i32
      %rem3A_450 = arith.remsi %add3A_448, %rem3A_449 : i32
      %dma_start3A_451 = arith.constant 24 : i32
      %dma_start3A_452 = arith.constant 0 : i32
      %dma_start3A_453 = tpu.memref_slice %arg5[%squeeze3A, %rem3A_450, %dma_start3A_452] : memref<128x50x4096xi32, #tpu.memory_space<hbm>> -> memref<1x1x2048xi32, #tpu.memory_space<hbm>>
      %dma_start3A_454 = tpu.memref_squeeze %dma_start3A_453 : memref<1x1x2048xi32, #tpu.memory_space<hbm>> -> memref<2048xi32, #tpu.memory_space<hbm>>
      %dma_start3A_455 = arith.constant 0 : i32
      %dma_start3A_456 = tpu.memref_slice %arg4[%dma_start3A_451, %dma_start3A_455] : memref<32x2048xi32, #tpu.memory_space<hbm>> -> memref<1x2048xi32, #tpu.memory_space<hbm>>
      %dma_start3A_457 = tpu.memref_squeeze %dma_start3A_456 : memref<1x2048xi32, #tpu.memory_space<hbm>> -> memref<2048xi32, #tpu.memory_space<hbm>>
      tpu.enqueue_dma source(%dma_start3A_457 : memref<2048xi32, #tpu.memory_space<hbm>>) target(%dma_start3A_454 : memref<2048xi32, #tpu.memory_space<hbm>>) target_semaphore(%arg11 : memref<!tpu.dma_semaphore, #tpu.memory_space<semaphore_mem>>)
      %add3A_458 = arith.constant 25 : i32
      %add3A_459 = arith.addi %rem3A_5, %add3A_458 : i32
      %rem3A_460 = arith.constant 50 : i32
      %rem3A_461 = arith.remsi %add3A_459, %rem3A_460 : i32
      %dma_start3A_462 = arith.constant 25 : i32
      %dma_start3A_463 = arith.constant 0 : i32
      %dma_start3A_464 = tpu.memref_slice %arg5[%squeeze3A, %rem3A_461, %dma_start3A_463] : memref<128x50x4096xi32, #tpu.memory_space<hbm>> -> memref<1x1x2048xi32, #tpu.memory_space<hbm>>
      %dma_start3A_465 = tpu.memref_squeeze %dma_start3A_464 : memref<1x1x2048xi32, #tpu.memory_space<hbm>> -> memref<2048xi32, #tpu.memory_space<hbm>>
      %dma_start3A_466 = arith.constant 0 : i32
      %dma_start3A_467 = tpu.memref_slice %arg4[%dma_start3A_462, %dma_start3A_466] : memref<32x2048xi32, #tpu.memory_space<hbm>> -> memref<1x2048xi32, #tpu.memory_space<hbm>>
      %dma_start3A_468 = tpu.memref_squeeze %dma_start3A_467 : memref<1x2048xi32, #tpu.memory_space<hbm>> -> memref<2048xi32, #tpu.memory_space<hbm>>
      tpu.enqueue_dma source(%dma_start3A_468 : memref<2048xi32, #tpu.memory_space<hbm>>) target(%dma_start3A_465 : memref<2048xi32, #tpu.memory_space<hbm>>) target_semaphore(%arg11 : memref<!tpu.dma_semaphore, #tpu.memory_space<semaphore_mem>>)
      %add3A_469 = arith.constant 26 : i32
      %add3A_470 = arith.addi %rem3A_5, %add3A_469 : i32
      %rem3A_471 = arith.constant 50 : i32
      %rem3A_472 = arith.remsi %add3A_470, %rem3A_471 : i32
      %dma_start3A_473 = arith.constant 26 : i32
      %dma_start3A_474 = arith.constant 0 : i32
      %dma_start3A_475 = tpu.memref_slice %arg5[%squeeze3A, %rem3A_472, %dma_start3A_474] : memref<128x50x4096xi32, #tpu.memory_space<hbm>> -> memref<1x1x2048xi32, #tpu.memory_space<hbm>>
      %dma_start3A_476 = tpu.memref_squeeze %dma_start3A_475 : memref<1x1x2048xi32, #tpu.memory_space<hbm>> -> memref<2048xi32, #tpu.memory_space<hbm>>
      %dma_start3A_477 = arith.constant 0 : i32
      %dma_start3A_478 = tpu.memref_slice %arg4[%dma_start3A_473, %dma_start3A_477] : memref<32x2048xi32, #tpu.memory_space<hbm>> -> memref<1x2048xi32, #tpu.memory_space<hbm>>
      %dma_start3A_479 = tpu.memref_squeeze %dma_start3A_478 : memref<1x2048xi32, #tpu.memory_space<hbm>> -> memref<2048xi32, #tpu.memory_space<hbm>>
      tpu.enqueue_dma source(%dma_start3A_479 : memref<2048xi32, #tpu.memory_space<hbm>>) target(%dma_start3A_476 : memref<2048xi32, #tpu.memory_space<hbm>>) target_semaphore(%arg11 : memref<!tpu.dma_semaphore, #tpu.memory_space<semaphore_mem>>)
      %add3A_480 = arith.constant 27 : i32
      %add3A_481 = arith.addi %rem3A_5, %add3A_480 : i32
      %rem3A_482 = arith.constant 50 : i32
      %rem3A_483 = arith.remsi %add3A_481, %rem3A_482 : i32
      %dma_start3A_484 = arith.constant 27 : i32
      %dma_start3A_485 = arith.constant 0 : i32
      %dma_start3A_486 = tpu.memref_slice %arg5[%squeeze3A, %rem3A_483, %dma_start3A_485] : memref<128x50x4096xi32, #tpu.memory_space<hbm>> -> memref<1x1x2048xi32, #tpu.memory_space<hbm>>
      %dma_start3A_487 = tpu.memref_squeeze %dma_start3A_486 : memref<1x1x2048xi32, #tpu.memory_space<hbm>> -> memref<2048xi32, #tpu.memory_space<hbm>>
      %dma_start3A_488 = arith.constant 0 : i32
      %dma_start3A_489 = tpu.memref_slice %arg4[%dma_start3A_484, %dma_start3A_488] : memref<32x2048xi32, #tpu.memory_space<hbm>> -> memref<1x2048xi32, #tpu.memory_space<hbm>>
      %dma_start3A_490 = tpu.memref_squeeze %dma_start3A_489 : memref<1x2048xi32, #tpu.memory_space<hbm>> -> memref<2048xi32, #tpu.memory_space<hbm>>
      tpu.enqueue_dma source(%dma_start3A_490 : memref<2048xi32, #tpu.memory_space<hbm>>) target(%dma_start3A_487 : memref<2048xi32, #tpu.memory_space<hbm>>) target_semaphore(%arg11 : memref<!tpu.dma_semaphore, #tpu.memory_space<semaphore_mem>>)
      %add3A_491 = arith.constant 28 : i32
      %add3A_492 = arith.addi %rem3A_5, %add3A_491 : i32
      %rem3A_493 = arith.constant 50 : i32
      %rem3A_494 = arith.remsi %add3A_492, %rem3A_493 : i32
      %dma_start3A_495 = arith.constant 28 : i32
      %dma_start3A_496 = arith.constant 0 : i32
      %dma_start3A_497 = tpu.memref_slice %arg5[%squeeze3A, %rem3A_494, %dma_start3A_496] : memref<128x50x4096xi32, #tpu.memory_space<hbm>> -> memref<1x1x2048xi32, #tpu.memory_space<hbm>>
      %dma_start3A_498 = tpu.memref_squeeze %dma_start3A_497 : memref<1x1x2048xi32, #tpu.memory_space<hbm>> -> memref<2048xi32, #tpu.memory_space<hbm>>
      %dma_start3A_499 = arith.constant 0 : i32
      %dma_start3A_500 = tpu.memref_slice %arg4[%dma_start3A_495, %dma_start3A_499] : memref<32x2048xi32, #tpu.memory_space<hbm>> -> memref<1x2048xi32, #tpu.memory_space<hbm>>
      %dma_start3A_501 = tpu.memref_squeeze %dma_start3A_500 : memref<1x2048xi32, #tpu.memory_space<hbm>> -> memref<2048xi32, #tpu.memory_space<hbm>>
      tpu.enqueue_dma source(%dma_start3A_501 : memref<2048xi32, #tpu.memory_space<hbm>>) target(%dma_start3A_498 : memref<2048xi32, #tpu.memory_space<hbm>>) target_semaphore(%arg11 : memref<!tpu.dma_semaphore, #tpu.memory_space<semaphore_mem>>)
      %add3A_502 = arith.constant 29 : i32
      %add3A_503 = arith.addi %rem3A_5, %add3A_502 : i32
      %rem3A_504 = arith.constant 50 : i32
      %rem3A_505 = arith.remsi %add3A_503, %rem3A_504 : i32
      %dma_start3A_506 = arith.constant 29 : i32
      %dma_start3A_507 = arith.constant 0 : i32
      %dma_start3A_508 = tpu.memref_slice %arg5[%squeeze3A, %rem3A_505, %dma_start3A_507] : memref<128x50x4096xi32, #tpu.memory_space<hbm>> -> memref<1x1x2048xi32, #tpu.memory_space<hbm>>
      %dma_start3A_509 = tpu.memref_squeeze %dma_start3A_508 : memref<1x1x2048xi32, #tpu.memory_space<hbm>> -> memref<2048xi32, #tpu.memory_space<hbm>>
      %dma_start3A_510 = arith.constant 0 : i32
      %dma_start3A_511 = tpu.memref_slice %arg4[%dma_start3A_506, %dma_start3A_510] : memref<32x2048xi32, #tpu.memory_space<hbm>> -> memref<1x2048xi32, #tpu.memory_space<hbm>>
      %dma_start3A_512 = tpu.memref_squeeze %dma_start3A_511 : memref<1x2048xi32, #tpu.memory_space<hbm>> -> memref<2048xi32, #tpu.memory_space<hbm>>
      tpu.enqueue_dma source(%dma_start3A_512 : memref<2048xi32, #tpu.memory_space<hbm>>) target(%dma_start3A_509 : memref<2048xi32, #tpu.memory_space<hbm>>) target_semaphore(%arg11 : memref<!tpu.dma_semaphore, #tpu.memory_space<semaphore_mem>>)
      %add3A_513 = arith.constant 30 : i32
      %add3A_514 = arith.addi %rem3A_5, %add3A_513 : i32
      %rem3A_515 = arith.constant 50 : i32
      %rem3A_516 = arith.remsi %add3A_514, %rem3A_515 : i32
      %dma_start3A_517 = arith.constant 30 : i32
      %dma_start3A_518 = arith.constant 0 : i32
      %dma_start3A_519 = tpu.memref_slice %arg5[%squeeze3A, %rem3A_516, %dma_start3A_518] : memref<128x50x4096xi32, #tpu.memory_space<hbm>> -> memref<1x1x2048xi32, #tpu.memory_space<hbm>>
      %dma_start3A_520 = tpu.memref_squeeze %dma_start3A_519 : memref<1x1x2048xi32, #tpu.memory_space<hbm>> -> memref<2048xi32, #tpu.memory_space<hbm>>
      %dma_start3A_521 = arith.constant 0 : i32
      %dma_start3A_522 = tpu.memref_slice %arg4[%dma_start3A_517, %dma_start3A_521] : memref<32x2048xi32, #tpu.memory_space<hbm>> -> memref<1x2048xi32, #tpu.memory_space<hbm>>
      %dma_start3A_523 = tpu.memref_squeeze %dma_start3A_522 : memref<1x2048xi32, #tpu.memory_space<hbm>> -> memref<2048xi32, #tpu.memory_space<hbm>>
      tpu.enqueue_dma source(%dma_start3A_523 : memref<2048xi32, #tpu.memory_space<hbm>>) target(%dma_start3A_520 : memref<2048xi32, #tpu.memory_space<hbm>>) target_semaphore(%arg11 : memref<!tpu.dma_semaphore, #tpu.memory_space<semaphore_mem>>)
      %add3A_524 = arith.constant 31 : i32
      %add3A_525 = arith.addi %rem3A_5, %add3A_524 : i32
      %rem3A_526 = arith.constant 50 : i32
      %rem3A_527 = arith.remsi %add3A_525, %rem3A_526 : i32
      %dma_start3A_528 = arith.constant 31 : i32
      %dma_start3A_529 = arith.constant 0 : i32
      %dma_start3A_530 = tpu.memref_slice %arg5[%squeeze3A, %rem3A_527, %dma_start3A_529] : memref<128x50x4096xi32, #tpu.memory_space<hbm>> -> memref<1x1x2048xi32, #tpu.memory_space<hbm>>
      %dma_start3A_531 = tpu.memref_squeeze %dma_start3A_530 : memref<1x1x2048xi32, #tpu.memory_space<hbm>> -> memref<2048xi32, #tpu.memory_space<hbm>>
      %dma_start3A_532 = arith.constant 0 : i32
      %dma_start3A_533 = tpu.memref_slice %arg4[%dma_start3A_528, %dma_start3A_532] : memref<32x2048xi32, #tpu.memory_space<hbm>> -> memref<1x2048xi32, #tpu.memory_space<hbm>>
      %dma_start3A_534 = tpu.memref_squeeze %dma_start3A_533 : memref<1x2048xi32, #tpu.memory_space<hbm>> -> memref<2048xi32, #tpu.memory_space<hbm>>
      tpu.enqueue_dma source(%dma_start3A_534 : memref<2048xi32, #tpu.memory_space<hbm>>) target(%dma_start3A_531 : memref<2048xi32, #tpu.memory_space<hbm>>) target_semaphore(%arg11 : memref<!tpu.dma_semaphore, #tpu.memory_space<semaphore_mem>>)
      %add3A_535 = arith.constant 0 : i32
      %add3A_536 = arith.addi %rem3A_5, %add3A_535 : i32
      %rem3A_537 = arith.constant 50 : i32
      %rem3A_538 = arith.remsi %add3A_536, %rem3A_537 : i32
      %dma_wait3A_539 = arith.constant 0 : i32
      %dma_wait3A_540 = arith.constant 0 : i32
      %dma_wait3A_541 = tpu.memref_slice %arg5[%squeeze3A, %rem3A_538, %dma_wait3A_540] : memref<128x50x4096xi32, #tpu.memory_space<hbm>> -> memref<1x1x2048xi32, #tpu.memory_space<hbm>>
      %dma_wait3A_542 = tpu.memref_squeeze %dma_wait3A_541 : memref<1x1x2048xi32, #tpu.memory_space<hbm>> -> memref<2048xi32, #tpu.memory_space<hbm>>
      %dma_wait3A_543 = arith.constant 0 : i32
      %dma_wait3A_544 = tpu.memref_slice %arg4[%dma_wait3A_539, %dma_wait3A_543] : memref<32x2048xi32, #tpu.memory_space<hbm>> -> memref<1x2048xi32, #tpu.memory_space<hbm>>
      %dma_wait3A_545 = tpu.memref_squeeze %dma_wait3A_544 : memref<1x2048xi32, #tpu.memory_space<hbm>> -> memref<2048xi32, #tpu.memory_space<hbm>>
      tpu.wait_dma2 semaphore(%arg11 : memref<!tpu.dma_semaphore, #tpu.memory_space<semaphore_mem>>) src(%dma_wait3A_545 : memref<2048xi32, #tpu.memory_space<hbm>>) dst(%dma_wait3A_542 : memref<2048xi32, #tpu.memory_space<hbm>>)
      %add3A_546 = arith.constant 1 : i32
      %add3A_547 = arith.addi %rem3A_5, %add3A_546 : i32
      %rem3A_548 = arith.constant 50 : i32
      %rem3A_549 = arith.remsi %add3A_547, %rem3A_548 : i32
      %dma_wait3A_550 = arith.constant 1 : i32
      %dma_wait3A_551 = arith.constant 0 : i32
      %dma_wait3A_552 = tpu.memref_slice %arg5[%squeeze3A, %rem3A_549, %dma_wait3A_551] : memref<128x50x4096xi32, #tpu.memory_space<hbm>> -> memref<1x1x2048xi32, #tpu.memory_space<hbm>>
      %dma_wait3A_553 = tpu.memref_squeeze %dma_wait3A_552 : memref<1x1x2048xi32, #tpu.memory_space<hbm>> -> memref<2048xi32, #tpu.memory_space<hbm>>
      %dma_wait3A_554 = arith.constant 0 : i32
      %dma_wait3A_555 = tpu.memref_slice %arg4[%dma_wait3A_550, %dma_wait3A_554] : memref<32x2048xi32, #tpu.memory_space<hbm>> -> memref<1x2048xi32, #tpu.memory_space<hbm>>
      %dma_wait3A_556 = tpu.memref_squeeze %dma_wait3A_555 : memref<1x2048xi32, #tpu.memory_space<hbm>> -> memref<2048xi32, #tpu.memory_space<hbm>>
      tpu.wait_dma2 semaphore(%arg11 : memref<!tpu.dma_semaphore, #tpu.memory_space<semaphore_mem>>) src(%dma_wait3A_556 : memref<2048xi32, #tpu.memory_space<hbm>>) dst(%dma_wait3A_553 : memref<2048xi32, #tpu.memory_space<hbm>>)
      %add3A_557 = arith.constant 2 : i32
      %add3A_558 = arith.addi %rem3A_5, %add3A_557 : i32
      %rem3A_559 = arith.constant 50 : i32
      %rem3A_560 = arith.remsi %add3A_558, %rem3A_559 : i32
      %dma_wait3A_561 = arith.constant 2 : i32
      %dma_wait3A_562 = arith.constant 0 : i32
      %dma_wait3A_563 = tpu.memref_slice %arg5[%squeeze3A, %rem3A_560, %dma_wait3A_562] : memref<128x50x4096xi32, #tpu.memory_space<hbm>> -> memref<1x1x2048xi32, #tpu.memory_space<hbm>>
      %dma_wait3A_564 = tpu.memref_squeeze %dma_wait3A_563 : memref<1x1x2048xi32, #tpu.memory_space<hbm>> -> memref<2048xi32, #tpu.memory_space<hbm>>
      %dma_wait3A_565 = arith.constant 0 : i32
      %dma_wait3A_566 = tpu.memref_slice %arg4[%dma_wait3A_561, %dma_wait3A_565] : memref<32x2048xi32, #tpu.memory_space<hbm>> -> memref<1x2048xi32, #tpu.memory_space<hbm>>
      %dma_wait3A_567 = tpu.memref_squeeze %dma_wait3A_566 : memref<1x2048xi32, #tpu.memory_space<hbm>> -> memref<2048xi32, #tpu.memory_space<hbm>>
      tpu.wait_dma2 semaphore(%arg11 : memref<!tpu.dma_semaphore, #tpu.memory_space<semaphore_mem>>) src(%dma_wait3A_567 : memref<2048xi32, #tpu.memory_space<hbm>>) dst(%dma_wait3A_564 : memref<2048xi32, #tpu.memory_space<hbm>>)
      %add3A_568 = arith.constant 3 : i32
      %add3A_569 = arith.addi %rem3A_5, %add3A_568 : i32
      %rem3A_570 = arith.constant 50 : i32
      %rem3A_571 = arith.remsi %add3A_569, %rem3A_570 : i32
      %dma_wait3A_572 = arith.constant 3 : i32
      %dma_wait3A_573 = arith.constant 0 : i32
      %dma_wait3A_574 = tpu.memref_slice %arg5[%squeeze3A, %rem3A_571, %dma_wait3A_573] : memref<128x50x4096xi32, #tpu.memory_space<hbm>> -> memref<1x1x2048xi32, #tpu.memory_space<hbm>>
      %dma_wait3A_575 = tpu.memref_squeeze %dma_wait3A_574 : memref<1x1x2048xi32, #tpu.memory_space<hbm>> -> memref<2048xi32, #tpu.memory_space<hbm>>
      %dma_wait3A_576 = arith.constant 0 : i32
      %dma_wait3A_577 = tpu.memref_slice %arg4[%dma_wait3A_572, %dma_wait3A_576] : memref<32x2048xi32, #tpu.memory_space<hbm>> -> memref<1x2048xi32, #tpu.memory_space<hbm>>
      %dma_wait3A_578 = tpu.memref_squeeze %dma_wait3A_577 : memref<1x2048xi32, #tpu.memory_space<hbm>> -> memref<2048xi32, #tpu.memory_space<hbm>>
      tpu.wait_dma2 semaphore(%arg11 : memref<!tpu.dma_semaphore, #tpu.memory_space<semaphore_mem>>) src(%dma_wait3A_578 : memref<2048xi32, #tpu.memory_space<hbm>>) dst(%dma_wait3A_575 : memref<2048xi32, #tpu.memory_space<hbm>>)
      %add3A_579 = arith.constant 4 : i32
      %add3A_580 = arith.addi %rem3A_5, %add3A_579 : i32
      %rem3A_581 = arith.constant 50 : i32
      %rem3A_582 = arith.remsi %add3A_580, %rem3A_581 : i32
      %dma_wait3A_583 = arith.constant 4 : i32
      %dma_wait3A_584 = arith.constant 0 : i32
      %dma_wait3A_585 = tpu.memref_slice %arg5[%squeeze3A, %rem3A_582, %dma_wait3A_584] : memref<128x50x4096xi32, #tpu.memory_space<hbm>> -> memref<1x1x2048xi32, #tpu.memory_space<hbm>>
      %dma_wait3A_586 = tpu.memref_squeeze %dma_wait3A_585 : memref<1x1x2048xi32, #tpu.memory_space<hbm>> -> memref<2048xi32, #tpu.memory_space<hbm>>
      %dma_wait3A_587 = arith.constant 0 : i32
      %dma_wait3A_588 = tpu.memref_slice %arg4[%dma_wait3A_583, %dma_wait3A_587] : memref<32x2048xi32, #tpu.memory_space<hbm>> -> memref<1x2048xi32, #tpu.memory_space<hbm>>
      %dma_wait3A_589 = tpu.memref_squeeze %dma_wait3A_588 : memref<1x2048xi32, #tpu.memory_space<hbm>> -> memref<2048xi32, #tpu.memory_space<hbm>>
      tpu.wait_dma2 semaphore(%arg11 : memref<!tpu.dma_semaphore, #tpu.memory_space<semaphore_mem>>) src(%dma_wait3A_589 : memref<2048xi32, #tpu.memory_space<hbm>>) dst(%dma_wait3A_586 : memref<2048xi32, #tpu.memory_space<hbm>>)
      %add3A_590 = arith.constant 5 : i32
      %add3A_591 = arith.addi %rem3A_5, %add3A_590 : i32
      %rem3A_592 = arith.constant 50 : i32
      %rem3A_593 = arith.remsi %add3A_591, %rem3A_592 : i32
      %dma_wait3A_594 = arith.constant 5 : i32
      %dma_wait3A_595 = arith.constant 0 : i32
      %dma_wait3A_596 = tpu.memref_slice %arg5[%squeeze3A, %rem3A_593, %dma_wait3A_595] : memref<128x50x4096xi32, #tpu.memory_space<hbm>> -> memref<1x1x2048xi32, #tpu.memory_space<hbm>>
      %dma_wait3A_597 = tpu.memref_squeeze %dma_wait3A_596 : memref<1x1x2048xi32, #tpu.memory_space<hbm>> -> memref<2048xi32, #tpu.memory_space<hbm>>
      %dma_wait3A_598 = arith.constant 0 : i32
      %dma_wait3A_599 = tpu.memref_slice %arg4[%dma_wait3A_594, %dma_wait3A_598] : memref<32x2048xi32, #tpu.memory_space<hbm>> -> memref<1x2048xi32, #tpu.memory_space<hbm>>
      %dma_wait3A_600 = tpu.memref_squeeze %dma_wait3A_599 : memref<1x2048xi32, #tpu.memory_space<hbm>> -> memref<2048xi32, #tpu.memory_space<hbm>>
      tpu.wait_dma2 semaphore(%arg11 : memref<!tpu.dma_semaphore, #tpu.memory_space<semaphore_mem>>) src(%dma_wait3A_600 : memref<2048xi32, #tpu.memory_space<hbm>>) dst(%dma_wait3A_597 : memref<2048xi32, #tpu.memory_space<hbm>>)
      %add3A_601 = arith.constant 6 : i32
      %add3A_602 = arith.addi %rem3A_5, %add3A_601 : i32
      %rem3A_603 = arith.constant 50 : i32
      %rem3A_604 = arith.remsi %add3A_602, %rem3A_603 : i32
      %dma_wait3A_605 = arith.constant 6 : i32
      %dma_wait3A_606 = arith.constant 0 : i32
      %dma_wait3A_607 = tpu.memref_slice %arg5[%squeeze3A, %rem3A_604, %dma_wait3A_606] : memref<128x50x4096xi32, #tpu.memory_space<hbm>> -> memref<1x1x2048xi32, #tpu.memory_space<hbm>>
      %dma_wait3A_608 = tpu.memref_squeeze %dma_wait3A_607 : memref<1x1x2048xi32, #tpu.memory_space<hbm>> -> memref<2048xi32, #tpu.memory_space<hbm>>
      %dma_wait3A_609 = arith.constant 0 : i32
      %dma_wait3A_610 = tpu.memref_slice %arg4[%dma_wait3A_605, %dma_wait3A_609] : memref<32x2048xi32, #tpu.memory_space<hbm>> -> memref<1x2048xi32, #tpu.memory_space<hbm>>
      %dma_wait3A_611 = tpu.memref_squeeze %dma_wait3A_610 : memref<1x2048xi32, #tpu.memory_space<hbm>> -> memref<2048xi32, #tpu.memory_space<hbm>>
      tpu.wait_dma2 semaphore(%arg11 : memref<!tpu.dma_semaphore, #tpu.memory_space<semaphore_mem>>) src(%dma_wait3A_611 : memref<2048xi32, #tpu.memory_space<hbm>>) dst(%dma_wait3A_608 : memref<2048xi32, #tpu.memory_space<hbm>>)
      %add3A_612 = arith.constant 7 : i32
      %add3A_613 = arith.addi %rem3A_5, %add3A_612 : i32
      %rem3A_614 = arith.constant 50 : i32
      %rem3A_615 = arith.remsi %add3A_613, %rem3A_614 : i32
      %dma_wait3A_616 = arith.constant 7 : i32
      %dma_wait3A_617 = arith.constant 0 : i32
      %dma_wait3A_618 = tpu.memref_slice %arg5[%squeeze3A, %rem3A_615, %dma_wait3A_617] : memref<128x50x4096xi32, #tpu.memory_space<hbm>> -> memref<1x1x2048xi32, #tpu.memory_space<hbm>>
      %dma_wait3A_619 = tpu.memref_squeeze %dma_wait3A_618 : memref<1x1x2048xi32, #tpu.memory_space<hbm>> -> memref<2048xi32, #tpu.memory_space<hbm>>
      %dma_wait3A_620 = arith.constant 0 : i32
      %dma_wait3A_621 = tpu.memref_slice %arg4[%dma_wait3A_616, %dma_wait3A_620] : memref<32x2048xi32, #tpu.memory_space<hbm>> -> memref<1x2048xi32, #tpu.memory_space<hbm>>
      %dma_wait3A_622 = tpu.memref_squeeze %dma_wait3A_621 : memref<1x2048xi32, #tpu.memory_space<hbm>> -> memref<2048xi32, #tpu.memory_space<hbm>>
      tpu.wait_dma2 semaphore(%arg11 : memref<!tpu.dma_semaphore, #tpu.memory_space<semaphore_mem>>) src(%dma_wait3A_622 : memref<2048xi32, #tpu.memory_space<hbm>>) dst(%dma_wait3A_619 : memref<2048xi32, #tpu.memory_space<hbm>>)
      %add3A_623 = arith.constant 8 : i32
      %add3A_624 = arith.addi %rem3A_5, %add3A_623 : i32
      %rem3A_625 = arith.constant 50 : i32
      %rem3A_626 = arith.remsi %add3A_624, %rem3A_625 : i32
      %dma_wait3A_627 = arith.constant 8 : i32
      %dma_wait3A_628 = arith.constant 0 : i32
      %dma_wait3A_629 = tpu.memref_slice %arg5[%squeeze3A, %rem3A_626, %dma_wait3A_628] : memref<128x50x4096xi32, #tpu.memory_space<hbm>> -> memref<1x1x2048xi32, #tpu.memory_space<hbm>>
      %dma_wait3A_630 = tpu.memref_squeeze %dma_wait3A_629 : memref<1x1x2048xi32, #tpu.memory_space<hbm>> -> memref<2048xi32, #tpu.memory_space<hbm>>
      %dma_wait3A_631 = arith.constant 0 : i32
      %dma_wait3A_632 = tpu.memref_slice %arg4[%dma_wait3A_627, %dma_wait3A_631] : memref<32x2048xi32, #tpu.memory_space<hbm>> -> memref<1x2048xi32, #tpu.memory_space<hbm>>
      %dma_wait3A_633 = tpu.memref_squeeze %dma_wait3A_632 : memref<1x2048xi32, #tpu.memory_space<hbm>> -> memref<2048xi32, #tpu.memory_space<hbm>>
      tpu.wait_dma2 semaphore(%arg11 : memref<!tpu.dma_semaphore, #tpu.memory_space<semaphore_mem>>) src(%dma_wait3A_633 : memref<2048xi32, #tpu.memory_space<hbm>>) dst(%dma_wait3A_630 : memref<2048xi32, #tpu.memory_space<hbm>>)
      %add3A_634 = arith.constant 9 : i32
      %add3A_635 = arith.addi %rem3A_5, %add3A_634 : i32
      %rem3A_636 = arith.constant 50 : i32
      %rem3A_637 = arith.remsi %add3A_635, %rem3A_636 : i32
      %dma_wait3A_638 = arith.constant 9 : i32
      %dma_wait3A_639 = arith.constant 0 : i32
      %dma_wait3A_640 = tpu.memref_slice %arg5[%squeeze3A, %rem3A_637, %dma_wait3A_639] : memref<128x50x4096xi32, #tpu.memory_space<hbm>> -> memref<1x1x2048xi32, #tpu.memory_space<hbm>>
      %dma_wait3A_641 = tpu.memref_squeeze %dma_wait3A_640 : memref<1x1x2048xi32, #tpu.memory_space<hbm>> -> memref<2048xi32, #tpu.memory_space<hbm>>
      %dma_wait3A_642 = arith.constant 0 : i32
      %dma_wait3A_643 = tpu.memref_slice %arg4[%dma_wait3A_638, %dma_wait3A_642] : memref<32x2048xi32, #tpu.memory_space<hbm>> -> memref<1x2048xi32, #tpu.memory_space<hbm>>
      %dma_wait3A_644 = tpu.memref_squeeze %dma_wait3A_643 : memref<1x2048xi32, #tpu.memory_space<hbm>> -> memref<2048xi32, #tpu.memory_space<hbm>>
      tpu.wait_dma2 semaphore(%arg11 : memref<!tpu.dma_semaphore, #tpu.memory_space<semaphore_mem>>) src(%dma_wait3A_644 : memref<2048xi32, #tpu.memory_space<hbm>>) dst(%dma_wait3A_641 : memref<2048xi32, #tpu.memory_space<hbm>>)
      %add3A_645 = arith.constant 10 : i32
      %add3A_646 = arith.addi %rem3A_5, %add3A_645 : i32
      %rem3A_647 = arith.constant 50 : i32
      %rem3A_648 = arith.remsi %add3A_646, %rem3A_647 : i32
      %dma_wait3A_649 = arith.constant 10 : i32
      %dma_wait3A_650 = arith.constant 0 : i32
      %dma_wait3A_651 = tpu.memref_slice %arg5[%squeeze3A, %rem3A_648, %dma_wait3A_650] : memref<128x50x4096xi32, #tpu.memory_space<hbm>> -> memref<1x1x2048xi32, #tpu.memory_space<hbm>>
      %dma_wait3A_652 = tpu.memref_squeeze %dma_wait3A_651 : memref<1x1x2048xi32, #tpu.memory_space<hbm>> -> memref<2048xi32, #tpu.memory_space<hbm>>
      %dma_wait3A_653 = arith.constant 0 : i32
      %dma_wait3A_654 = tpu.memref_slice %arg4[%dma_wait3A_649, %dma_wait3A_653] : memref<32x2048xi32, #tpu.memory_space<hbm>> -> memref<1x2048xi32, #tpu.memory_space<hbm>>
      %dma_wait3A_655 = tpu.memref_squeeze %dma_wait3A_654 : memref<1x2048xi32, #tpu.memory_space<hbm>> -> memref<2048xi32, #tpu.memory_space<hbm>>
      tpu.wait_dma2 semaphore(%arg11 : memref<!tpu.dma_semaphore, #tpu.memory_space<semaphore_mem>>) src(%dma_wait3A_655 : memref<2048xi32, #tpu.memory_space<hbm>>) dst(%dma_wait3A_652 : memref<2048xi32, #tpu.memory_space<hbm>>)
      %add3A_656 = arith.constant 11 : i32
      %add3A_657 = arith.addi %rem3A_5, %add3A_656 : i32
      %rem3A_658 = arith.constant 50 : i32
      %rem3A_659 = arith.remsi %add3A_657, %rem3A_658 : i32
      %dma_wait3A_660 = arith.constant 11 : i32
      %dma_wait3A_661 = arith.constant 0 : i32
      %dma_wait3A_662 = tpu.memref_slice %arg5[%squeeze3A, %rem3A_659, %dma_wait3A_661] : memref<128x50x4096xi32, #tpu.memory_space<hbm>> -> memref<1x1x2048xi32, #tpu.memory_space<hbm>>
      %dma_wait3A_663 = tpu.memref_squeeze %dma_wait3A_662 : memref<1x1x2048xi32, #tpu.memory_space<hbm>> -> memref<2048xi32, #tpu.memory_space<hbm>>
      %dma_wait3A_664 = arith.constant 0 : i32
      %dma_wait3A_665 = tpu.memref_slice %arg4[%dma_wait3A_660, %dma_wait3A_664] : memref<32x2048xi32, #tpu.memory_space<hbm>> -> memref<1x2048xi32, #tpu.memory_space<hbm>>
      %dma_wait3A_666 = tpu.memref_squeeze %dma_wait3A_665 : memref<1x2048xi32, #tpu.memory_space<hbm>> -> memref<2048xi32, #tpu.memory_space<hbm>>
      tpu.wait_dma2 semaphore(%arg11 : memref<!tpu.dma_semaphore, #tpu.memory_space<semaphore_mem>>) src(%dma_wait3A_666 : memref<2048xi32, #tpu.memory_space<hbm>>) dst(%dma_wait3A_663 : memref<2048xi32, #tpu.memory_space<hbm>>)
      %add3A_667 = arith.constant 12 : i32
      %add3A_668 = arith.addi %rem3A_5, %add3A_667 : i32
      %rem3A_669 = arith.constant 50 : i32
      %rem3A_670 = arith.remsi %add3A_668, %rem3A_669 : i32
      %dma_wait3A_671 = arith.constant 12 : i32
      %dma_wait3A_672 = arith.constant 0 : i32
      %dma_wait3A_673 = tpu.memref_slice %arg5[%squeeze3A, %rem3A_670, %dma_wait3A_672] : memref<128x50x4096xi32, #tpu.memory_space<hbm>> -> memref<1x1x2048xi32, #tpu.memory_space<hbm>>
      %dma_wait3A_674 = tpu.memref_squeeze %dma_wait3A_673 : memref<1x1x2048xi32, #tpu.memory_space<hbm>> -> memref<2048xi32, #tpu.memory_space<hbm>>
      %dma_wait3A_675 = arith.constant 0 : i32
      %dma_wait3A_676 = tpu.memref_slice %arg4[%dma_wait3A_671, %dma_wait3A_675] : memref<32x2048xi32, #tpu.memory_space<hbm>> -> memref<1x2048xi32, #tpu.memory_space<hbm>>
      %dma_wait3A_677 = tpu.memref_squeeze %dma_wait3A_676 : memref<1x2048xi32, #tpu.memory_space<hbm>> -> memref<2048xi32, #tpu.memory_space<hbm>>
      tpu.wait_dma2 semaphore(%arg11 : memref<!tpu.dma_semaphore, #tpu.memory_space<semaphore_mem>>) src(%dma_wait3A_677 : memref<2048xi32, #tpu.memory_space<hbm>>) dst(%dma_wait3A_674 : memref<2048xi32, #tpu.memory_space<hbm>>)
      %add3A_678 = arith.constant 13 : i32
      %add3A_679 = arith.addi %rem3A_5, %add3A_678 : i32
      %rem3A_680 = arith.constant 50 : i32
      %rem3A_681 = arith.remsi %add3A_679, %rem3A_680 : i32
      %dma_wait3A_682 = arith.constant 13 : i32
      %dma_wait3A_683 = arith.constant 0 : i32
      %dma_wait3A_684 = tpu.memref_slice %arg5[%squeeze3A, %rem3A_681, %dma_wait3A_683] : memref<128x50x4096xi32, #tpu.memory_space<hbm>> -> memref<1x1x2048xi32, #tpu.memory_space<hbm>>
      %dma_wait3A_685 = tpu.memref_squeeze %dma_wait3A_684 : memref<1x1x2048xi32, #tpu.memory_space<hbm>> -> memref<2048xi32, #tpu.memory_space<hbm>>
      %dma_wait3A_686 = arith.constant 0 : i32
      %dma_wait3A_687 = tpu.memref_slice %arg4[%dma_wait3A_682, %dma_wait3A_686] : memref<32x2048xi32, #tpu.memory_space<hbm>> -> memref<1x2048xi32, #tpu.memory_space<hbm>>
      %dma_wait3A_688 = tpu.memref_squeeze %dma_wait3A_687 : memref<1x2048xi32, #tpu.memory_space<hbm>> -> memref<2048xi32, #tpu.memory_space<hbm>>
      tpu.wait_dma2 semaphore(%arg11 : memref<!tpu.dma_semaphore, #tpu.memory_space<semaphore_mem>>) src(%dma_wait3A_688 : memref<2048xi32, #tpu.memory_space<hbm>>) dst(%dma_wait3A_685 : memref<2048xi32, #tpu.memory_space<hbm>>)
      %add3A_689 = arith.constant 14 : i32
      %add3A_690 = arith.addi %rem3A_5, %add3A_689 : i32
      %rem3A_691 = arith.constant 50 : i32
      %rem3A_692 = arith.remsi %add3A_690, %rem3A_691 : i32
      %dma_wait3A_693 = arith.constant 14 : i32
      %dma_wait3A_694 = arith.constant 0 : i32
      %dma_wait3A_695 = tpu.memref_slice %arg5[%squeeze3A, %rem3A_692, %dma_wait3A_694] : memref<128x50x4096xi32, #tpu.memory_space<hbm>> -> memref<1x1x2048xi32, #tpu.memory_space<hbm>>
      %dma_wait3A_696 = tpu.memref_squeeze %dma_wait3A_695 : memref<1x1x2048xi32, #tpu.memory_space<hbm>> -> memref<2048xi32, #tpu.memory_space<hbm>>
      %dma_wait3A_697 = arith.constant 0 : i32
      %dma_wait3A_698 = tpu.memref_slice %arg4[%dma_wait3A_693, %dma_wait3A_697] : memref<32x2048xi32, #tpu.memory_space<hbm>> -> memref<1x2048xi32, #tpu.memory_space<hbm>>
      %dma_wait3A_699 = tpu.memref_squeeze %dma_wait3A_698 : memref<1x2048xi32, #tpu.memory_space<hbm>> -> memref<2048xi32, #tpu.memory_space<hbm>>
      tpu.wait_dma2 semaphore(%arg11 : memref<!tpu.dma_semaphore, #tpu.memory_space<semaphore_mem>>) src(%dma_wait3A_699 : memref<2048xi32, #tpu.memory_space<hbm>>) dst(%dma_wait3A_696 : memref<2048xi32, #tpu.memory_space<hbm>>)
      %add3A_700 = arith.constant 15 : i32
      %add3A_701 = arith.addi %rem3A_5, %add3A_700 : i32
      %rem3A_702 = arith.constant 50 : i32
      %rem3A_703 = arith.remsi %add3A_701, %rem3A_702 : i32
      %dma_wait3A_704 = arith.constant 15 : i32
      %dma_wait3A_705 = arith.constant 0 : i32
      %dma_wait3A_706 = tpu.memref_slice %arg5[%squeeze3A, %rem3A_703, %dma_wait3A_705] : memref<128x50x4096xi32, #tpu.memory_space<hbm>> -> memref<1x1x2048xi32, #tpu.memory_space<hbm>>
      %dma_wait3A_707 = tpu.memref_squeeze %dma_wait3A_706 : memref<1x1x2048xi32, #tpu.memory_space<hbm>> -> memref<2048xi32, #tpu.memory_space<hbm>>
      %dma_wait3A_708 = arith.constant 0 : i32
      %dma_wait3A_709 = tpu.memref_slice %arg4[%dma_wait3A_704, %dma_wait3A_708] : memref<32x2048xi32, #tpu.memory_space<hbm>> -> memref<1x2048xi32, #tpu.memory_space<hbm>>
      %dma_wait3A_710 = tpu.memref_squeeze %dma_wait3A_709 : memref<1x2048xi32, #tpu.memory_space<hbm>> -> memref<2048xi32, #tpu.memory_space<hbm>>
      tpu.wait_dma2 semaphore(%arg11 : memref<!tpu.dma_semaphore, #tpu.memory_space<semaphore_mem>>) src(%dma_wait3A_710 : memref<2048xi32, #tpu.memory_space<hbm>>) dst(%dma_wait3A_707 : memref<2048xi32, #tpu.memory_space<hbm>>)
      %add3A_711 = arith.constant 16 : i32
      %add3A_712 = arith.addi %rem3A_5, %add3A_711 : i32
      %rem3A_713 = arith.constant 50 : i32
      %rem3A_714 = arith.remsi %add3A_712, %rem3A_713 : i32
      %dma_wait3A_715 = arith.constant 16 : i32
      %dma_wait3A_716 = arith.constant 0 : i32
      %dma_wait3A_717 = tpu.memref_slice %arg5[%squeeze3A, %rem3A_714, %dma_wait3A_716] : memref<128x50x4096xi32, #tpu.memory_space<hbm>> -> memref<1x1x2048xi32, #tpu.memory_space<hbm>>
      %dma_wait3A_718 = tpu.memref_squeeze %dma_wait3A_717 : memref<1x1x2048xi32, #tpu.memory_space<hbm>> -> memref<2048xi32, #tpu.memory_space<hbm>>
      %dma_wait3A_719 = arith.constant 0 : i32
      %dma_wait3A_720 = tpu.memref_slice %arg4[%dma_wait3A_715, %dma_wait3A_719] : memref<32x2048xi32, #tpu.memory_space<hbm>> -> memref<1x2048xi32, #tpu.memory_space<hbm>>
      %dma_wait3A_721 = tpu.memref_squeeze %dma_wait3A_720 : memref<1x2048xi32, #tpu.memory_space<hbm>> -> memref<2048xi32, #tpu.memory_space<hbm>>
      tpu.wait_dma2 semaphore(%arg11 : memref<!tpu.dma_semaphore, #tpu.memory_space<semaphore_mem>>) src(%dma_wait3A_721 : memref<2048xi32, #tpu.memory_space<hbm>>) dst(%dma_wait3A_718 : memref<2048xi32, #tpu.memory_space<hbm>>)
      %add3A_722 = arith.constant 17 : i32
      %add3A_723 = arith.addi %rem3A_5, %add3A_722 : i32
      %rem3A_724 = arith.constant 50 : i32
      %rem3A_725 = arith.remsi %add3A_723, %rem3A_724 : i32
      %dma_wait3A_726 = arith.constant 17 : i32
      %dma_wait3A_727 = arith.constant 0 : i32
      %dma_wait3A_728 = tpu.memref_slice %arg5[%squeeze3A, %rem3A_725, %dma_wait3A_727] : memref<128x50x4096xi32, #tpu.memory_space<hbm>> -> memref<1x1x2048xi32, #tpu.memory_space<hbm>>
      %dma_wait3A_729 = tpu.memref_squeeze %dma_wait3A_728 : memref<1x1x2048xi32, #tpu.memory_space<hbm>> -> memref<2048xi32, #tpu.memory_space<hbm>>
      %dma_wait3A_730 = arith.constant 0 : i32
      %dma_wait3A_731 = tpu.memref_slice %arg4[%dma_wait3A_726, %dma_wait3A_730] : memref<32x2048xi32, #tpu.memory_space<hbm>> -> memref<1x2048xi32, #tpu.memory_space<hbm>>
      %dma_wait3A_732 = tpu.memref_squeeze %dma_wait3A_731 : memref<1x2048xi32, #tpu.memory_space<hbm>> -> memref<2048xi32, #tpu.memory_space<hbm>>
      tpu.wait_dma2 semaphore(%arg11 : memref<!tpu.dma_semaphore, #tpu.memory_space<semaphore_mem>>) src(%dma_wait3A_732 : memref<2048xi32, #tpu.memory_space<hbm>>) dst(%dma_wait3A_729 : memref<2048xi32, #tpu.memory_space<hbm>>)
      %add3A_733 = arith.constant 18 : i32
      %add3A_734 = arith.addi %rem3A_5, %add3A_733 : i32
      %rem3A_735 = arith.constant 50 : i32
      %rem3A_736 = arith.remsi %add3A_734, %rem3A_735 : i32
      %dma_wait3A_737 = arith.constant 18 : i32
      %dma_wait3A_738 = arith.constant 0 : i32
      %dma_wait3A_739 = tpu.memref_slice %arg5[%squeeze3A, %rem3A_736, %dma_wait3A_738] : memref<128x50x4096xi32, #tpu.memory_space<hbm>> -> memref<1x1x2048xi32, #tpu.memory_space<hbm>>
      %dma_wait3A_740 = tpu.memref_squeeze %dma_wait3A_739 : memref<1x1x2048xi32, #tpu.memory_space<hbm>> -> memref<2048xi32, #tpu.memory_space<hbm>>
      %dma_wait3A_741 = arith.constant 0 : i32
      %dma_wait3A_742 = tpu.memref_slice %arg4[%dma_wait3A_737, %dma_wait3A_741] : memref<32x2048xi32, #tpu.memory_space<hbm>> -> memref<1x2048xi32, #tpu.memory_space<hbm>>
      %dma_wait3A_743 = tpu.memref_squeeze %dma_wait3A_742 : memref<1x2048xi32, #tpu.memory_space<hbm>> -> memref<2048xi32, #tpu.memory_space<hbm>>
      tpu.wait_dma2 semaphore(%arg11 : memref<!tpu.dma_semaphore, #tpu.memory_space<semaphore_mem>>) src(%dma_wait3A_743 : memref<2048xi32, #tpu.memory_space<hbm>>) dst(%dma_wait3A_740 : memref<2048xi32, #tpu.memory_space<hbm>>)
      %add3A_744 = arith.constant 19 : i32
      %add3A_745 = arith.addi %rem3A_5, %add3A_744 : i32
      %rem3A_746 = arith.constant 50 : i32
      %rem3A_747 = arith.remsi %add3A_745, %rem3A_746 : i32
      %dma_wait3A_748 = arith.constant 19 : i32
      %dma_wait3A_749 = arith.constant 0 : i32
      %dma_wait3A_750 = tpu.memref_slice %arg5[%squeeze3A, %rem3A_747, %dma_wait3A_749] : memref<128x50x4096xi32, #tpu.memory_space<hbm>> -> memref<1x1x2048xi32, #tpu.memory_space<hbm>>
      %dma_wait3A_751 = tpu.memref_squeeze %dma_wait3A_750 : memref<1x1x2048xi32, #tpu.memory_space<hbm>> -> memref<2048xi32, #tpu.memory_space<hbm>>
      %dma_wait3A_752 = arith.constant 0 : i32
      %dma_wait3A_753 = tpu.memref_slice %arg4[%dma_wait3A_748, %dma_wait3A_752] : memref<32x2048xi32, #tpu.memory_space<hbm>> -> memref<1x2048xi32, #tpu.memory_space<hbm>>
      %dma_wait3A_754 = tpu.memref_squeeze %dma_wait3A_753 : memref<1x2048xi32, #tpu.memory_space<hbm>> -> memref<2048xi32, #tpu.memory_space<hbm>>
      tpu.wait_dma2 semaphore(%arg11 : memref<!tpu.dma_semaphore, #tpu.memory_space<semaphore_mem>>) src(%dma_wait3A_754 : memref<2048xi32, #tpu.memory_space<hbm>>) dst(%dma_wait3A_751 : memref<2048xi32, #tpu.memory_space<hbm>>)
      %add3A_755 = arith.constant 20 : i32
      %add3A_756 = arith.addi %rem3A_5, %add3A_755 : i32
      %rem3A_757 = arith.constant 50 : i32
      %rem3A_758 = arith.remsi %add3A_756, %rem3A_757 : i32
      %dma_wait3A_759 = arith.constant 20 : i32
      %dma_wait3A_760 = arith.constant 0 : i32
      %dma_wait3A_761 = tpu.memref_slice %arg5[%squeeze3A, %rem3A_758, %dma_wait3A_760] : memref<128x50x4096xi32, #tpu.memory_space<hbm>> -> memref<1x1x2048xi32, #tpu.memory_space<hbm>>
      %dma_wait3A_762 = tpu.memref_squeeze %dma_wait3A_761 : memref<1x1x2048xi32, #tpu.memory_space<hbm>> -> memref<2048xi32, #tpu.memory_space<hbm>>
      %dma_wait3A_763 = arith.constant 0 : i32
      %dma_wait3A_764 = tpu.memref_slice %arg4[%dma_wait3A_759, %dma_wait3A_763] : memref<32x2048xi32, #tpu.memory_space<hbm>> -> memref<1x2048xi32, #tpu.memory_space<hbm>>
      %dma_wait3A_765 = tpu.memref_squeeze %dma_wait3A_764 : memref<1x2048xi32, #tpu.memory_space<hbm>> -> memref<2048xi32, #tpu.memory_space<hbm>>
      tpu.wait_dma2 semaphore(%arg11 : memref<!tpu.dma_semaphore, #tpu.memory_space<semaphore_mem>>) src(%dma_wait3A_765 : memref<2048xi32, #tpu.memory_space<hbm>>) dst(%dma_wait3A_762 : memref<2048xi32, #tpu.memory_space<hbm>>)
      %add3A_766 = arith.constant 21 : i32
      %add3A_767 = arith.addi %rem3A_5, %add3A_766 : i32
      %rem3A_768 = arith.constant 50 : i32
      %rem3A_769 = arith.remsi %add3A_767, %rem3A_768 : i32
      %dma_wait3A_770 = arith.constant 21 : i32
      %dma_wait3A_771 = arith.constant 0 : i32
      %dma_wait3A_772 = tpu.memref_slice %arg5[%squeeze3A, %rem3A_769, %dma_wait3A_771] : memref<128x50x4096xi32, #tpu.memory_space<hbm>> -> memref<1x1x2048xi32, #tpu.memory_space<hbm>>
      %dma_wait3A_773 = tpu.memref_squeeze %dma_wait3A_772 : memref<1x1x2048xi32, #tpu.memory_space<hbm>> -> memref<2048xi32, #tpu.memory_space<hbm>>
      %dma_wait3A_774 = arith.constant 0 : i32
      %dma_wait3A_775 = tpu.memref_slice %arg4[%dma_wait3A_770, %dma_wait3A_774] : memref<32x2048xi32, #tpu.memory_space<hbm>> -> memref<1x2048xi32, #tpu.memory_space<hbm>>
      %dma_wait3A_776 = tpu.memref_squeeze %dma_wait3A_775 : memref<1x2048xi32, #tpu.memory_space<hbm>> -> memref<2048xi32, #tpu.memory_space<hbm>>
      tpu.wait_dma2 semaphore(%arg11 : memref<!tpu.dma_semaphore, #tpu.memory_space<semaphore_mem>>) src(%dma_wait3A_776 : memref<2048xi32, #tpu.memory_space<hbm>>) dst(%dma_wait3A_773 : memref<2048xi32, #tpu.memory_space<hbm>>)
      %add3A_777 = arith.constant 22 : i32
      %add3A_778 = arith.addi %rem3A_5, %add3A_777 : i32
      %rem3A_779 = arith.constant 50 : i32
      %rem3A_780 = arith.remsi %add3A_778, %rem3A_779 : i32
      %dma_wait3A_781 = arith.constant 22 : i32
      %dma_wait3A_782 = arith.constant 0 : i32
      %dma_wait3A_783 = tpu.memref_slice %arg5[%squeeze3A, %rem3A_780, %dma_wait3A_782] : memref<128x50x4096xi32, #tpu.memory_space<hbm>> -> memref<1x1x2048xi32, #tpu.memory_space<hbm>>
      %dma_wait3A_784 = tpu.memref_squeeze %dma_wait3A_783 : memref<1x1x2048xi32, #tpu.memory_space<hbm>> -> memref<2048xi32, #tpu.memory_space<hbm>>
      %dma_wait3A_785 = arith.constant 0 : i32
      %dma_wait3A_786 = tpu.memref_slice %arg4[%dma_wait3A_781, %dma_wait3A_785] : memref<32x2048xi32, #tpu.memory_space<hbm>> -> memref<1x2048xi32, #tpu.memory_space<hbm>>
      %dma_wait3A_787 = tpu.memref_squeeze %dma_wait3A_786 : memref<1x2048xi32, #tpu.memory_space<hbm>> -> memref<2048xi32, #tpu.memory_space<hbm>>
      tpu.wait_dma2 semaphore(%arg11 : memref<!tpu.dma_semaphore, #tpu.memory_space<semaphore_mem>>) src(%dma_wait3A_787 : memref<2048xi32, #tpu.memory_space<hbm>>) dst(%dma_wait3A_784 : memref<2048xi32, #tpu.memory_space<hbm>>)
      %add3A_788 = arith.constant 23 : i32
      %add3A_789 = arith.addi %rem3A_5, %add3A_788 : i32
      %rem3A_790 = arith.constant 50 : i32
      %rem3A_791 = arith.remsi %add3A_789, %rem3A_790 : i32
      %dma_wait3A_792 = arith.constant 23 : i32
      %dma_wait3A_793 = arith.constant 0 : i32
      %dma_wait3A_794 = tpu.memref_slice %arg5[%squeeze3A, %rem3A_791, %dma_wait3A_793] : memref<128x50x4096xi32, #tpu.memory_space<hbm>> -> memref<1x1x2048xi32, #tpu.memory_space<hbm>>
      %dma_wait3A_795 = tpu.memref_squeeze %dma_wait3A_794 : memref<1x1x2048xi32, #tpu.memory_space<hbm>> -> memref<2048xi32, #tpu.memory_space<hbm>>
      %dma_wait3A_796 = arith.constant 0 : i32
      %dma_wait3A_797 = tpu.memref_slice %arg4[%dma_wait3A_792, %dma_wait3A_796] : memref<32x2048xi32, #tpu.memory_space<hbm>> -> memref<1x2048xi32, #tpu.memory_space<hbm>>
      %dma_wait3A_798 = tpu.memref_squeeze %dma_wait3A_797 : memref<1x2048xi32, #tpu.memory_space<hbm>> -> memref<2048xi32, #tpu.memory_space<hbm>>
      tpu.wait_dma2 semaphore(%arg11 : memref<!tpu.dma_semaphore, #tpu.memory_space<semaphore_mem>>) src(%dma_wait3A_798 : memref<2048xi32, #tpu.memory_space<hbm>>) dst(%dma_wait3A_795 : memref<2048xi32, #tpu.memory_space<hbm>>)
      %add3A_799 = arith.constant 24 : i32
      %add3A_800 = arith.addi %rem3A_5, %add3A_799 : i32
      %rem3A_801 = arith.constant 50 : i32
      %rem3A_802 = arith.remsi %add3A_800, %rem3A_801 : i32
      %dma_wait3A_803 = arith.constant 24 : i32
      %dma_wait3A_804 = arith.constant 0 : i32
      %dma_wait3A_805 = tpu.memref_slice %arg5[%squeeze3A, %rem3A_802, %dma_wait3A_804] : memref<128x50x4096xi32, #tpu.memory_space<hbm>> -> memref<1x1x2048xi32, #tpu.memory_space<hbm>>
      %dma_wait3A_806 = tpu.memref_squeeze %dma_wait3A_805 : memref<1x1x2048xi32, #tpu.memory_space<hbm>> -> memref<2048xi32, #tpu.memory_space<hbm>>
      %dma_wait3A_807 = arith.constant 0 : i32
      %dma_wait3A_808 = tpu.memref_slice %arg4[%dma_wait3A_803, %dma_wait3A_807] : memref<32x2048xi32, #tpu.memory_space<hbm>> -> memref<1x2048xi32, #tpu.memory_space<hbm>>
      %dma_wait3A_809 = tpu.memref_squeeze %dma_wait3A_808 : memref<1x2048xi32, #tpu.memory_space<hbm>> -> memref<2048xi32, #tpu.memory_space<hbm>>
      tpu.wait_dma2 semaphore(%arg11 : memref<!tpu.dma_semaphore, #tpu.memory_space<semaphore_mem>>) src(%dma_wait3A_809 : memref<2048xi32, #tpu.memory_space<hbm>>) dst(%dma_wait3A_806 : memref<2048xi32, #tpu.memory_space<hbm>>)
      %add3A_810 = arith.constant 25 : i32
      %add3A_811 = arith.addi %rem3A_5, %add3A_810 : i32
      %rem3A_812 = arith.constant 50 : i32
      %rem3A_813 = arith.remsi %add3A_811, %rem3A_812 : i32
      %dma_wait3A_814 = arith.constant 25 : i32
      %dma_wait3A_815 = arith.constant 0 : i32
      %dma_wait3A_816 = tpu.memref_slice %arg5[%squeeze3A, %rem3A_813, %dma_wait3A_815] : memref<128x50x4096xi32, #tpu.memory_space<hbm>> -> memref<1x1x2048xi32, #tpu.memory_space<hbm>>
      %dma_wait3A_817 = tpu.memref_squeeze %dma_wait3A_816 : memref<1x1x2048xi32, #tpu.memory_space<hbm>> -> memref<2048xi32, #tpu.memory_space<hbm>>
      %dma_wait3A_818 = arith.constant 0 : i32
      %dma_wait3A_819 = tpu.memref_slice %arg4[%dma_wait3A_814, %dma_wait3A_818] : memref<32x2048xi32, #tpu.memory_space<hbm>> -> memref<1x2048xi32, #tpu.memory_space<hbm>>
      %dma_wait3A_820 = tpu.memref_squeeze %dma_wait3A_819 : memref<1x2048xi32, #tpu.memory_space<hbm>> -> memref<2048xi32, #tpu.memory_space<hbm>>
      tpu.wait_dma2 semaphore(%arg11 : memref<!tpu.dma_semaphore, #tpu.memory_space<semaphore_mem>>) src(%dma_wait3A_820 : memref<2048xi32, #tpu.memory_space<hbm>>) dst(%dma_wait3A_817 : memref<2048xi32, #tpu.memory_space<hbm>>)
      %add3A_821 = arith.constant 26 : i32
      %add3A_822 = arith.addi %rem3A_5, %add3A_821 : i32
      %rem3A_823 = arith.constant 50 : i32
      %rem3A_824 = arith.remsi %add3A_822, %rem3A_823 : i32
      %dma_wait3A_825 = arith.constant 26 : i32
      %dma_wait3A_826 = arith.constant 0 : i32
      %dma_wait3A_827 = tpu.memref_slice %arg5[%squeeze3A, %rem3A_824, %dma_wait3A_826] : memref<128x50x4096xi32, #tpu.memory_space<hbm>> -> memref<1x1x2048xi32, #tpu.memory_space<hbm>>
      %dma_wait3A_828 = tpu.memref_squeeze %dma_wait3A_827 : memref<1x1x2048xi32, #tpu.memory_space<hbm>> -> memref<2048xi32, #tpu.memory_space<hbm>>
      %dma_wait3A_829 = arith.constant 0 : i32
      %dma_wait3A_830 = tpu.memref_slice %arg4[%dma_wait3A_825, %dma_wait3A_829] : memref<32x2048xi32, #tpu.memory_space<hbm>> -> memref<1x2048xi32, #tpu.memory_space<hbm>>
      %dma_wait3A_831 = tpu.memref_squeeze %dma_wait3A_830 : memref<1x2048xi32, #tpu.memory_space<hbm>> -> memref<2048xi32, #tpu.memory_space<hbm>>
      tpu.wait_dma2 semaphore(%arg11 : memref<!tpu.dma_semaphore, #tpu.memory_space<semaphore_mem>>) src(%dma_wait3A_831 : memref<2048xi32, #tpu.memory_space<hbm>>) dst(%dma_wait3A_828 : memref<2048xi32, #tpu.memory_space<hbm>>)
      %add3A_832 = arith.constant 27 : i32
      %add3A_833 = arith.addi %rem3A_5, %add3A_832 : i32
      %rem3A_834 = arith.constant 50 : i32
      %rem3A_835 = arith.remsi %add3A_833, %rem3A_834 : i32
      %dma_wait3A_836 = arith.constant 27 : i32
      %dma_wait3A_837 = arith.constant 0 : i32
      %dma_wait3A_838 = tpu.memref_slice %arg5[%squeeze3A, %rem3A_835, %dma_wait3A_837] : memref<128x50x4096xi32, #tpu.memory_space<hbm>> -> memref<1x1x2048xi32, #tpu.memory_space<hbm>>
      %dma_wait3A_839 = tpu.memref_squeeze %dma_wait3A_838 : memref<1x1x2048xi32, #tpu.memory_space<hbm>> -> memref<2048xi32, #tpu.memory_space<hbm>>
      %dma_wait3A_840 = arith.constant 0 : i32
      %dma_wait3A_841 = tpu.memref_slice %arg4[%dma_wait3A_836, %dma_wait3A_840] : memref<32x2048xi32, #tpu.memory_space<hbm>> -> memref<1x2048xi32, #tpu.memory_space<hbm>>
      %dma_wait3A_842 = tpu.memref_squeeze %dma_wait3A_841 : memref<1x2048xi32, #tpu.memory_space<hbm>> -> memref<2048xi32, #tpu.memory_space<hbm>>
      tpu.wait_dma2 semaphore(%arg11 : memref<!tpu.dma_semaphore, #tpu.memory_space<semaphore_mem>>) src(%dma_wait3A_842 : memref<2048xi32, #tpu.memory_space<hbm>>) dst(%dma_wait3A_839 : memref<2048xi32, #tpu.memory_space<hbm>>)
      %add3A_843 = arith.constant 28 : i32
      %add3A_844 = arith.addi %rem3A_5, %add3A_843 : i32
      %rem3A_845 = arith.constant 50 : i32
      %rem3A_846 = arith.remsi %add3A_844, %rem3A_845 : i32
      %dma_wait3A_847 = arith.constant 28 : i32
      %dma_wait3A_848 = arith.constant 0 : i32
      %dma_wait3A_849 = tpu.memref_slice %arg5[%squeeze3A, %rem3A_846, %dma_wait3A_848] : memref<128x50x4096xi32, #tpu.memory_space<hbm>> -> memref<1x1x2048xi32, #tpu.memory_space<hbm>>
      %dma_wait3A_850 = tpu.memref_squeeze %dma_wait3A_849 : memref<1x1x2048xi32, #tpu.memory_space<hbm>> -> memref<2048xi32, #tpu.memory_space<hbm>>
      %dma_wait3A_851 = arith.constant 0 : i32
      %dma_wait3A_852 = tpu.memref_slice %arg4[%dma_wait3A_847, %dma_wait3A_851] : memref<32x2048xi32, #tpu.memory_space<hbm>> -> memref<1x2048xi32, #tpu.memory_space<hbm>>
      %dma_wait3A_853 = tpu.memref_squeeze %dma_wait3A_852 : memref<1x2048xi32, #tpu.memory_space<hbm>> -> memref<2048xi32, #tpu.memory_space<hbm>>
      tpu.wait_dma2 semaphore(%arg11 : memref<!tpu.dma_semaphore, #tpu.memory_space<semaphore_mem>>) src(%dma_wait3A_853 : memref<2048xi32, #tpu.memory_space<hbm>>) dst(%dma_wait3A_850 : memref<2048xi32, #tpu.memory_space<hbm>>)
      %add3A_854 = arith.constant 29 : i32
      %add3A_855 = arith.addi %rem3A_5, %add3A_854 : i32
      %rem3A_856 = arith.constant 50 : i32
      %rem3A_857 = arith.remsi %add3A_855, %rem3A_856 : i32
      %dma_wait3A_858 = arith.constant 29 : i32
      %dma_wait3A_859 = arith.constant 0 : i32
      %dma_wait3A_860 = tpu.memref_slice %arg5[%squeeze3A, %rem3A_857, %dma_wait3A_859] : memref<128x50x4096xi32, #tpu.memory_space<hbm>> -> memref<1x1x2048xi32, #tpu.memory_space<hbm>>
      %dma_wait3A_861 = tpu.memref_squeeze %dma_wait3A_860 : memref<1x1x2048xi32, #tpu.memory_space<hbm>> -> memref<2048xi32, #tpu.memory_space<hbm>>
      %dma_wait3A_862 = arith.constant 0 : i32
      %dma_wait3A_863 = tpu.memref_slice %arg4[%dma_wait3A_858, %dma_wait3A_862] : memref<32x2048xi32, #tpu.memory_space<hbm>> -> memref<1x2048xi32, #tpu.memory_space<hbm>>
      %dma_wait3A_864 = tpu.memref_squeeze %dma_wait3A_863 : memref<1x2048xi32, #tpu.memory_space<hbm>> -> memref<2048xi32, #tpu.memory_space<hbm>>
      tpu.wait_dma2 semaphore(%arg11 : memref<!tpu.dma_semaphore, #tpu.memory_space<semaphore_mem>>) src(%dma_wait3A_864 : memref<2048xi32, #tpu.memory_space<hbm>>) dst(%dma_wait3A_861 : memref<2048xi32, #tpu.memory_space<hbm>>)
      %add3A_865 = arith.constant 30 : i32
      %add3A_866 = arith.addi %rem3A_5, %add3A_865 : i32
      %rem3A_867 = arith.constant 50 : i32
      %rem3A_868 = arith.remsi %add3A_866, %rem3A_867 : i32
      %dma_wait3A_869 = arith.constant 30 : i32
      %dma_wait3A_870 = arith.constant 0 : i32
      %dma_wait3A_871 = tpu.memref_slice %arg5[%squeeze3A, %rem3A_868, %dma_wait3A_870] : memref<128x50x4096xi32, #tpu.memory_space<hbm>> -> memref<1x1x2048xi32, #tpu.memory_space<hbm>>
      %dma_wait3A_872 = tpu.memref_squeeze %dma_wait3A_871 : memref<1x1x2048xi32, #tpu.memory_space<hbm>> -> memref<2048xi32, #tpu.memory_space<hbm>>
      %dma_wait3A_873 = arith.constant 0 : i32
      %dma_wait3A_874 = tpu.memref_slice %arg4[%dma_wait3A_869, %dma_wait3A_873] : memref<32x2048xi32, #tpu.memory_space<hbm>> -> memref<1x2048xi32, #tpu.memory_space<hbm>>
      %dma_wait3A_875 = tpu.memref_squeeze %dma_wait3A_874 : memref<1x2048xi32, #tpu.memory_space<hbm>> -> memref<2048xi32, #tpu.memory_space<hbm>>
      tpu.wait_dma2 semaphore(%arg11 : memref<!tpu.dma_semaphore, #tpu.memory_space<semaphore_mem>>) src(%dma_wait3A_875 : memref<2048xi32, #tpu.memory_space<hbm>>) dst(%dma_wait3A_872 : memref<2048xi32, #tpu.memory_space<hbm>>)
      %add3A_876 = arith.constant 31 : i32
      %add3A_877 = arith.addi %rem3A_5, %add3A_876 : i32
      %rem3A_878 = arith.constant 50 : i32
      %rem3A_879 = arith.remsi %add3A_877, %rem3A_878 : i32
      %dma_wait3A_880 = arith.constant 31 : i32
      %dma_wait3A_881 = arith.constant 0 : i32
      %dma_wait3A_882 = tpu.memref_slice %arg5[%squeeze3A, %rem3A_879, %dma_wait3A_881] : memref<128x50x4096xi32, #tpu.memory_space<hbm>> -> memref<1x1x2048xi32, #tpu.memory_space<hbm>>
      %dma_wait3A_883 = tpu.memref_squeeze %dma_wait3A_882 : memref<1x1x2048xi32, #tpu.memory_space<hbm>> -> memref<2048xi32, #tpu.memory_space<hbm>>
      %dma_wait3A_884 = arith.constant 0 : i32
      %dma_wait3A_885 = tpu.memref_slice %arg4[%dma_wait3A_880, %dma_wait3A_884] : memref<32x2048xi32, #tpu.memory_space<hbm>> -> memref<1x2048xi32, #tpu.memory_space<hbm>>
      %dma_wait3A_886 = tpu.memref_squeeze %dma_wait3A_885 : memref<1x2048xi32, #tpu.memory_space<hbm>> -> memref<2048xi32, #tpu.memory_space<hbm>>
      tpu.wait_dma2 semaphore(%arg11 : memref<!tpu.dma_semaphore, #tpu.memory_space<semaphore_mem>>) src(%dma_wait3A_886 : memref<2048xi32, #tpu.memory_space<hbm>>) dst(%dma_wait3A_883 : memref<2048xi32, #tpu.memory_space<hbm>>)
    } else {
    }
    return
  }
}

module attributes {stable_mosaic.version = 14 : i64} {
  func.func @_book_kernel(%arg0: memref<16xi32, #tpu.memory_space<smem>>, %arg1: memref<32xi32, #tpu.memory_space<smem>>, %arg2: memref<1x128xi32, #tpu.memory_space<vmem>>, %arg3: memref<1x128xi32, #tpu.memory_space<vmem>>, %arg4: memref<128x50xi32, #tpu.memory_space<vmem>>, %arg5: memref<128x50xf32, #tpu.memory_space<vmem>>, %arg6: memref<128x50xf32, #tpu.memory_space<vmem>>, %arg7: memref<128x50xi32, #tpu.memory_space<vmem>>, %arg8: memref<128x50xf32, #tpu.memory_space<vmem>>, %arg9: memref<128x50xf32, #tpu.memory_space<vmem>>, %arg10: memref<1x128xi32, #tpu.memory_space<vmem>>, %arg11: memref<1x128xi32, #tpu.memory_space<vmem>>) attributes {dimension_semantics = [], scalar_prefetch = 0 : i64, scratch_operands = 0 : i64, tpu.core_type = #tpu.core_type<tc>} {
    %get3A = arith.constant 0 : index
    %get3A_0 = memref.load %arg0[%get3A] : memref<16xi32, #tpu.memory_space<smem>>
    %get3A_1 = arith.constant 1 : index
    %get3A_2 = memref.load %arg0[%get3A_1] : memref<16xi32, #tpu.memory_space<smem>>
    %rem3A = arith.constant 50 : i32
    %rem3A_3 = arith.remsi %get3A_2, %rem3A : i32
    %iota3A = tpu.iota {dimensions = array<i32: 0>} : vector<128x50xi32>
    %iota3A_4 = tpu.iota {dimensions = array<i32: 1>} : vector<128x50xi32>
    %sub3A = vector.broadcast %rem3A_3 : i32 to vector<128x50xi32>
    %sub3A_5 = arith.subi %iota3A_4, %sub3A : vector<128x50xi32>
    %lt3A = arith.constant 0 : i32
    %lt3A_6 = vector.broadcast %lt3A : i32 to vector<128x50xi32>
    %lt3A_7 = arith.cmpi slt, %sub3A_5, %lt3A_6 : vector<128x50xi32>
    %add3A = arith.constant 50 : i32
    %add3A_8 = vector.broadcast %add3A : i32 to vector<128x50xi32>
    %add3A_9 = arith.addi %sub3A_5, %add3A_8 : vector<128x50xi32>
    %select_n3A = arith.select %lt3A_7, %add3A_9, %sub3A_5 : vector<128x50xi1>, vector<128x50xi32>
    %eq3A = vector.broadcast %get3A_0 : i32 to vector<128x50xi32>
    %eq3A_10 = arith.cmpi eq, %iota3A, %eq3A : vector<128x50xi32>
    %lt3A_11 = arith.constant 32 : i32
    %lt3A_12 = vector.broadcast %lt3A_11 : i32 to vector<128x50xi32>
    %lt3A_13 = arith.cmpi slt, %select_n3A, %lt3A_12 : vector<128x50xi32>
    %and3A = arith.andi %eq3A_10, %lt3A_13 : vector<128x50xi1>
    %get3A_14 = arith.constant 0 : index
    %get3A_15 = arith.constant 0 : index
    %get3A_16 = vector.load %arg5[%get3A_14, %get3A_15] : memref<128x50xf32, #tpu.memory_space<vmem>>, vector<128x50xf32>
    %jit3A = arith.constant 1.000000e+00 : f32
    %broadcast_in_dim3A = vector.broadcast %jit3A : f32 to vector<128x50xf32>
    %select_n3A_17 = arith.select %and3A, %broadcast_in_dim3A, %get3A_16 : vector<128x50xi1>, vector<128x50xf32>
    %swap3A = arith.constant 0 : index
    %swap3A_18 = arith.constant 0 : index
    %swap3A_19 = vector.load %arg8[%swap3A, %swap3A_18] : memref<128x50xf32, #tpu.memory_space<vmem>>, vector<128x50xf32>
    tpu.vector_store %arg8[%swap3A, %swap3A_18], %select_n3A_17 {strides = array<i32>} : memref<128x50xf32, #tpu.memory_space<vmem>>, vector<128x50xf32>,
    %get3A_20 = arith.constant 0 : index
    %get3A_21 = arith.constant 0 : index
    %get3A_22 = vector.load %arg6[%get3A_20, %get3A_21] : memref<128x50xf32, #tpu.memory_space<vmem>>, vector<128x50xf32>
    %jit3A_23 = arith.constant 0.000000e+00 : f32
    %broadcast_in_dim3A_24 = vector.broadcast %jit3A_23 : f32 to vector<128x50xf32>
    %select_n3A_25 = arith.select %and3A, %broadcast_in_dim3A_24, %get3A_22 : vector<128x50xi1>, vector<128x50xf32>
    %swap3A_26 = arith.constant 0 : index
    %swap3A_27 = arith.constant 0 : index
    %swap3A_28 = vector.load %arg9[%swap3A_26, %swap3A_27] : memref<128x50xf32, #tpu.memory_space<vmem>>, vector<128x50xf32>
    tpu.vector_store %arg9[%swap3A_26, %swap3A_27], %select_n3A_25 {strides = array<i32>} : memref<128x50xf32, #tpu.memory_space<vmem>>, vector<128x50xf32>,
    %get3A_29 = arith.constant 0 : index
    %get3A_30 = arith.constant 0 : index
    %get3A_31 = vector.load %arg4[%get3A_29, %get3A_30] : memref<128x50xi32, #tpu.memory_space<vmem>>, vector<128x50xi32>
    %add3A_32 = arith.constant 0 : i32
    %add3A_33 = arith.addi %rem3A_3, %add3A_32 : i32
    %rem3A_34 = arith.constant 50 : i32
    %rem3A_35 = arith.remsi %add3A_33, %rem3A_34 : i32
    %eq3A_36 = vector.broadcast %get3A_0 : i32 to vector<128x50xi32>
    %eq3A_37 = arith.cmpi eq, %iota3A, %eq3A_36 : vector<128x50xi32>
    %eq3A_38 = vector.broadcast %rem3A_35 : i32 to vector<128x50xi32>
    %eq3A_39 = arith.cmpi eq, %iota3A_4, %eq3A_38 : vector<128x50xi32>
    %and3A_40 = arith.andi %eq3A_37, %eq3A_39 : vector<128x50xi1>
    %get3A_41 = arith.constant 0 : index
    %get3A_42 = memref.load %arg1[%get3A_41] : memref<32xi32, #tpu.memory_space<smem>>
    %broadcast_in_dim3A_43 = vector.broadcast %get3A_42 : i32 to vector<128x50xi32>
    %select_n3A_44 = arith.select %and3A_40, %broadcast_in_dim3A_43, %get3A_31 : vector<128x50xi1>, vector<128x50xi32>
    %add3A_45 = arith.constant 1 : i32
    %add3A_46 = arith.addi %rem3A_3, %add3A_45 : i32
    %rem3A_47 = arith.constant 50 : i32
    %rem3A_48 = arith.remsi %add3A_46, %rem3A_47 : i32
    %eq3A_49 = vector.broadcast %get3A_0 : i32 to vector<128x50xi32>
    %eq3A_50 = arith.cmpi eq, %iota3A, %eq3A_49 : vector<128x50xi32>
    %eq3A_51 = vector.broadcast %rem3A_48 : i32 to vector<128x50xi32>
    %eq3A_52 = arith.cmpi eq, %iota3A_4, %eq3A_51 : vector<128x50xi32>
    %and3A_53 = arith.andi %eq3A_50, %eq3A_52 : vector<128x50xi1>
    %get3A_54 = arith.constant 1 : index
    %get3A_55 = memref.load %arg1[%get3A_54] : memref<32xi32, #tpu.memory_space<smem>>
    %broadcast_in_dim3A_56 = vector.broadcast %get3A_55 : i32 to vector<128x50xi32>
    %select_n3A_57 = arith.select %and3A_53, %broadcast_in_dim3A_56, %select_n3A_44 : vector<128x50xi1>, vector<128x50xi32>
    %add3A_58 = arith.constant 2 : i32
    %add3A_59 = arith.addi %rem3A_3, %add3A_58 : i32
    %rem3A_60 = arith.constant 50 : i32
    %rem3A_61 = arith.remsi %add3A_59, %rem3A_60 : i32
    %eq3A_62 = vector.broadcast %get3A_0 : i32 to vector<128x50xi32>
    %eq3A_63 = arith.cmpi eq, %iota3A, %eq3A_62 : vector<128x50xi32>
    %eq3A_64 = vector.broadcast %rem3A_61 : i32 to vector<128x50xi32>
    %eq3A_65 = arith.cmpi eq, %iota3A_4, %eq3A_64 : vector<128x50xi32>
    %and3A_66 = arith.andi %eq3A_63, %eq3A_65 : vector<128x50xi1>
    %get3A_67 = arith.constant 2 : index
    %get3A_68 = memref.load %arg1[%get3A_67] : memref<32xi32, #tpu.memory_space<smem>>
    %broadcast_in_dim3A_69 = vector.broadcast %get3A_68 : i32 to vector<128x50xi32>
    %select_n3A_70 = arith.select %and3A_66, %broadcast_in_dim3A_69, %select_n3A_57 : vector<128x50xi1>, vector<128x50xi32>
    %add3A_71 = arith.constant 3 : i32
    %add3A_72 = arith.addi %rem3A_3, %add3A_71 : i32
    %rem3A_73 = arith.constant 50 : i32
    %rem3A_74 = arith.remsi %add3A_72, %rem3A_73 : i32
    %eq3A_75 = vector.broadcast %get3A_0 : i32 to vector<128x50xi32>
    %eq3A_76 = arith.cmpi eq, %iota3A, %eq3A_75 : vector<128x50xi32>
    %eq3A_77 = vector.broadcast %rem3A_74 : i32 to vector<128x50xi32>
    %eq3A_78 = arith.cmpi eq, %iota3A_4, %eq3A_77 : vector<128x50xi32>
    %and3A_79 = arith.andi %eq3A_76, %eq3A_78 : vector<128x50xi1>
    %get3A_80 = arith.constant 3 : index
    %get3A_81 = memref.load %arg1[%get3A_80] : memref<32xi32, #tpu.memory_space<smem>>
    %broadcast_in_dim3A_82 = vector.broadcast %get3A_81 : i32 to vector<128x50xi32>
    %select_n3A_83 = arith.select %and3A_79, %broadcast_in_dim3A_82, %select_n3A_70 : vector<128x50xi1>, vector<128x50xi32>
    %add3A_84 = arith.constant 4 : i32
    %add3A_85 = arith.addi %rem3A_3, %add3A_84 : i32
    %rem3A_86 = arith.constant 50 : i32
    %rem3A_87 = arith.remsi %add3A_85, %rem3A_86 : i32
    %eq3A_88 = vector.broadcast %get3A_0 : i32 to vector<128x50xi32>
    %eq3A_89 = arith.cmpi eq, %iota3A, %eq3A_88 : vector<128x50xi32>
    %eq3A_90 = vector.broadcast %rem3A_87 : i32 to vector<128x50xi32>
    %eq3A_91 = arith.cmpi eq, %iota3A_4, %eq3A_90 : vector<128x50xi32>
    %and3A_92 = arith.andi %eq3A_89, %eq3A_91 : vector<128x50xi1>
    %get3A_93 = arith.constant 4 : index
    %get3A_94 = memref.load %arg1[%get3A_93] : memref<32xi32, #tpu.memory_space<smem>>
    %broadcast_in_dim3A_95 = vector.broadcast %get3A_94 : i32 to vector<128x50xi32>
    %select_n3A_96 = arith.select %and3A_92, %broadcast_in_dim3A_95, %select_n3A_83 : vector<128x50xi1>, vector<128x50xi32>
    %add3A_97 = arith.constant 5 : i32
    %add3A_98 = arith.addi %rem3A_3, %add3A_97 : i32
    %rem3A_99 = arith.constant 50 : i32
    %rem3A_100 = arith.remsi %add3A_98, %rem3A_99 : i32
    %eq3A_101 = vector.broadcast %get3A_0 : i32 to vector<128x50xi32>
    %eq3A_102 = arith.cmpi eq, %iota3A, %eq3A_101 : vector<128x50xi32>
    %eq3A_103 = vector.broadcast %rem3A_100 : i32 to vector<128x50xi32>
    %eq3A_104 = arith.cmpi eq, %iota3A_4, %eq3A_103 : vector<128x50xi32>
    %and3A_105 = arith.andi %eq3A_102, %eq3A_104 : vector<128x50xi1>
    %get3A_106 = arith.constant 5 : index
    %get3A_107 = memref.load %arg1[%get3A_106] : memref<32xi32, #tpu.memory_space<smem>>
    %broadcast_in_dim3A_108 = vector.broadcast %get3A_107 : i32 to vector<128x50xi32>
    %select_n3A_109 = arith.select %and3A_105, %broadcast_in_dim3A_108, %select_n3A_96 : vector<128x50xi1>, vector<128x50xi32>
    %add3A_110 = arith.constant 6 : i32
    %add3A_111 = arith.addi %rem3A_3, %add3A_110 : i32
    %rem3A_112 = arith.constant 50 : i32
    %rem3A_113 = arith.remsi %add3A_111, %rem3A_112 : i32
    %eq3A_114 = vector.broadcast %get3A_0 : i32 to vector<128x50xi32>
    %eq3A_115 = arith.cmpi eq, %iota3A, %eq3A_114 : vector<128x50xi32>
    %eq3A_116 = vector.broadcast %rem3A_113 : i32 to vector<128x50xi32>
    %eq3A_117 = arith.cmpi eq, %iota3A_4, %eq3A_116 : vector<128x50xi32>
    %and3A_118 = arith.andi %eq3A_115, %eq3A_117 : vector<128x50xi1>
    %get3A_119 = arith.constant 6 : index
    %get3A_120 = memref.load %arg1[%get3A_119] : memref<32xi32, #tpu.memory_space<smem>>
    %broadcast_in_dim3A_121 = vector.broadcast %get3A_120 : i32 to vector<128x50xi32>
    %select_n3A_122 = arith.select %and3A_118, %broadcast_in_dim3A_121, %select_n3A_109 : vector<128x50xi1>, vector<128x50xi32>
    %add3A_123 = arith.constant 7 : i32
    %add3A_124 = arith.addi %rem3A_3, %add3A_123 : i32
    %rem3A_125 = arith.constant 50 : i32
    %rem3A_126 = arith.remsi %add3A_124, %rem3A_125 : i32
    %eq3A_127 = vector.broadcast %get3A_0 : i32 to vector<128x50xi32>
    %eq3A_128 = arith.cmpi eq, %iota3A, %eq3A_127 : vector<128x50xi32>
    %eq3A_129 = vector.broadcast %rem3A_126 : i32 to vector<128x50xi32>
    %eq3A_130 = arith.cmpi eq, %iota3A_4, %eq3A_129 : vector<128x50xi32>
    %and3A_131 = arith.andi %eq3A_128, %eq3A_130 : vector<128x50xi1>
    %get3A_132 = arith.constant 7 : index
    %get3A_133 = memref.load %arg1[%get3A_132] : memref<32xi32, #tpu.memory_space<smem>>
    %broadcast_in_dim3A_134 = vector.broadcast %get3A_133 : i32 to vector<128x50xi32>
    %select_n3A_135 = arith.select %and3A_131, %broadcast_in_dim3A_134, %select_n3A_122 : vector<128x50xi1>, vector<128x50xi32>
    %add3A_136 = arith.constant 8 : i32
    %add3A_137 = arith.addi %rem3A_3, %add3A_136 : i32
    %rem3A_138 = arith.constant 50 : i32
    %rem3A_139 = arith.remsi %add3A_137, %rem3A_138 : i32
    %eq3A_140 = vector.broadcast %get3A_0 : i32 to vector<128x50xi32>
    %eq3A_141 = arith.cmpi eq, %iota3A, %eq3A_140 : vector<128x50xi32>
    %eq3A_142 = vector.broadcast %rem3A_139 : i32 to vector<128x50xi32>
    %eq3A_143 = arith.cmpi eq, %iota3A_4, %eq3A_142 : vector<128x50xi32>
    %and3A_144 = arith.andi %eq3A_141, %eq3A_143 : vector<128x50xi1>
    %get3A_145 = arith.constant 8 : index
    %get3A_146 = memref.load %arg1[%get3A_145] : memref<32xi32, #tpu.memory_space<smem>>
    %broadcast_in_dim3A_147 = vector.broadcast %get3A_146 : i32 to vector<128x50xi32>
    %select_n3A_148 = arith.select %and3A_144, %broadcast_in_dim3A_147, %select_n3A_135 : vector<128x50xi1>, vector<128x50xi32>
    %add3A_149 = arith.constant 9 : i32
    %add3A_150 = arith.addi %rem3A_3, %add3A_149 : i32
    %rem3A_151 = arith.constant 50 : i32
    %rem3A_152 = arith.remsi %add3A_150, %rem3A_151 : i32
    %eq3A_153 = vector.broadcast %get3A_0 : i32 to vector<128x50xi32>
    %eq3A_154 = arith.cmpi eq, %iota3A, %eq3A_153 : vector<128x50xi32>
    %eq3A_155 = vector.broadcast %rem3A_152 : i32 to vector<128x50xi32>
    %eq3A_156 = arith.cmpi eq, %iota3A_4, %eq3A_155 : vector<128x50xi32>
    %and3A_157 = arith.andi %eq3A_154, %eq3A_156 : vector<128x50xi1>
    %get3A_158 = arith.constant 9 : index
    %get3A_159 = memref.load %arg1[%get3A_158] : memref<32xi32, #tpu.memory_space<smem>>
    %broadcast_in_dim3A_160 = vector.broadcast %get3A_159 : i32 to vector<128x50xi32>
    %select_n3A_161 = arith.select %and3A_157, %broadcast_in_dim3A_160, %select_n3A_148 : vector<128x50xi1>, vector<128x50xi32>
    %add3A_162 = arith.constant 10 : i32
    %add3A_163 = arith.addi %rem3A_3, %add3A_162 : i32
    %rem3A_164 = arith.constant 50 : i32
    %rem3A_165 = arith.remsi %add3A_163, %rem3A_164 : i32
    %eq3A_166 = vector.broadcast %get3A_0 : i32 to vector<128x50xi32>
    %eq3A_167 = arith.cmpi eq, %iota3A, %eq3A_166 : vector<128x50xi32>
    %eq3A_168 = vector.broadcast %rem3A_165 : i32 to vector<128x50xi32>
    %eq3A_169 = arith.cmpi eq, %iota3A_4, %eq3A_168 : vector<128x50xi32>
    %and3A_170 = arith.andi %eq3A_167, %eq3A_169 : vector<128x50xi1>
    %get3A_171 = arith.constant 10 : index
    %get3A_172 = memref.load %arg1[%get3A_171] : memref<32xi32, #tpu.memory_space<smem>>
    %broadcast_in_dim3A_173 = vector.broadcast %get3A_172 : i32 to vector<128x50xi32>
    %select_n3A_174 = arith.select %and3A_170, %broadcast_in_dim3A_173, %select_n3A_161 : vector<128x50xi1>, vector<128x50xi32>
    %add3A_175 = arith.constant 11 : i32
    %add3A_176 = arith.addi %rem3A_3, %add3A_175 : i32
    %rem3A_177 = arith.constant 50 : i32
    %rem3A_178 = arith.remsi %add3A_176, %rem3A_177 : i32
    %eq3A_179 = vector.broadcast %get3A_0 : i32 to vector<128x50xi32>
    %eq3A_180 = arith.cmpi eq, %iota3A, %eq3A_179 : vector<128x50xi32>
    %eq3A_181 = vector.broadcast %rem3A_178 : i32 to vector<128x50xi32>
    %eq3A_182 = arith.cmpi eq, %iota3A_4, %eq3A_181 : vector<128x50xi32>
    %and3A_183 = arith.andi %eq3A_180, %eq3A_182 : vector<128x50xi1>
    %get3A_184 = arith.constant 11 : index
    %get3A_185 = memref.load %arg1[%get3A_184] : memref<32xi32, #tpu.memory_space<smem>>
    %broadcast_in_dim3A_186 = vector.broadcast %get3A_185 : i32 to vector<128x50xi32>
    %select_n3A_187 = arith.select %and3A_183, %broadcast_in_dim3A_186, %select_n3A_174 : vector<128x50xi1>, vector<128x50xi32>
    %add3A_188 = arith.constant 12 : i32
    %add3A_189 = arith.addi %rem3A_3, %add3A_188 : i32
    %rem3A_190 = arith.constant 50 : i32
    %rem3A_191 = arith.remsi %add3A_189, %rem3A_190 : i32
    %eq3A_192 = vector.broadcast %get3A_0 : i32 to vector<128x50xi32>
    %eq3A_193 = arith.cmpi eq, %iota3A, %eq3A_192 : vector<128x50xi32>
    %eq3A_194 = vector.broadcast %rem3A_191 : i32 to vector<128x50xi32>
    %eq3A_195 = arith.cmpi eq, %iota3A_4, %eq3A_194 : vector<128x50xi32>
    %and3A_196 = arith.andi %eq3A_193, %eq3A_195 : vector<128x50xi1>
    %get3A_197 = arith.constant 12 : index
    %get3A_198 = memref.load %arg1[%get3A_197] : memref<32xi32, #tpu.memory_space<smem>>
    %broadcast_in_dim3A_199 = vector.broadcast %get3A_198 : i32 to vector<128x50xi32>
    %select_n3A_200 = arith.select %and3A_196, %broadcast_in_dim3A_199, %select_n3A_187 : vector<128x50xi1>, vector<128x50xi32>
    %add3A_201 = arith.constant 13 : i32
    %add3A_202 = arith.addi %rem3A_3, %add3A_201 : i32
    %rem3A_203 = arith.constant 50 : i32
    %rem3A_204 = arith.remsi %add3A_202, %rem3A_203 : i32
    %eq3A_205 = vector.broadcast %get3A_0 : i32 to vector<128x50xi32>
    %eq3A_206 = arith.cmpi eq, %iota3A, %eq3A_205 : vector<128x50xi32>
    %eq3A_207 = vector.broadcast %rem3A_204 : i32 to vector<128x50xi32>
    %eq3A_208 = arith.cmpi eq, %iota3A_4, %eq3A_207 : vector<128x50xi32>
    %and3A_209 = arith.andi %eq3A_206, %eq3A_208 : vector<128x50xi1>
    %get3A_210 = arith.constant 13 : index
    %get3A_211 = memref.load %arg1[%get3A_210] : memref<32xi32, #tpu.memory_space<smem>>
    %broadcast_in_dim3A_212 = vector.broadcast %get3A_211 : i32 to vector<128x50xi32>
    %select_n3A_213 = arith.select %and3A_209, %broadcast_in_dim3A_212, %select_n3A_200 : vector<128x50xi1>, vector<128x50xi32>
    %add3A_214 = arith.constant 14 : i32
    %add3A_215 = arith.addi %rem3A_3, %add3A_214 : i32
    %rem3A_216 = arith.constant 50 : i32
    %rem3A_217 = arith.remsi %add3A_215, %rem3A_216 : i32
    %eq3A_218 = vector.broadcast %get3A_0 : i32 to vector<128x50xi32>
    %eq3A_219 = arith.cmpi eq, %iota3A, %eq3A_218 : vector<128x50xi32>
    %eq3A_220 = vector.broadcast %rem3A_217 : i32 to vector<128x50xi32>
    %eq3A_221 = arith.cmpi eq, %iota3A_4, %eq3A_220 : vector<128x50xi32>
    %and3A_222 = arith.andi %eq3A_219, %eq3A_221 : vector<128x50xi1>
    %get3A_223 = arith.constant 14 : index
    %get3A_224 = memref.load %arg1[%get3A_223] : memref<32xi32, #tpu.memory_space<smem>>
    %broadcast_in_dim3A_225 = vector.broadcast %get3A_224 : i32 to vector<128x50xi32>
    %select_n3A_226 = arith.select %and3A_222, %broadcast_in_dim3A_225, %select_n3A_213 : vector<128x50xi1>, vector<128x50xi32>
    %add3A_227 = arith.constant 15 : i32
    %add3A_228 = arith.addi %rem3A_3, %add3A_227 : i32
    %rem3A_229 = arith.constant 50 : i32
    %rem3A_230 = arith.remsi %add3A_228, %rem3A_229 : i32
    %eq3A_231 = vector.broadcast %get3A_0 : i32 to vector<128x50xi32>
    %eq3A_232 = arith.cmpi eq, %iota3A, %eq3A_231 : vector<128x50xi32>
    %eq3A_233 = vector.broadcast %rem3A_230 : i32 to vector<128x50xi32>
    %eq3A_234 = arith.cmpi eq, %iota3A_4, %eq3A_233 : vector<128x50xi32>
    %and3A_235 = arith.andi %eq3A_232, %eq3A_234 : vector<128x50xi1>
    %get3A_236 = arith.constant 15 : index
    %get3A_237 = memref.load %arg1[%get3A_236] : memref<32xi32, #tpu.memory_space<smem>>
    %broadcast_in_dim3A_238 = vector.broadcast %get3A_237 : i32 to vector<128x50xi32>
    %select_n3A_239 = arith.select %and3A_235, %broadcast_in_dim3A_238, %select_n3A_226 : vector<128x50xi1>, vector<128x50xi32>
    %add3A_240 = arith.constant 16 : i32
    %add3A_241 = arith.addi %rem3A_3, %add3A_240 : i32
    %rem3A_242 = arith.constant 50 : i32
    %rem3A_243 = arith.remsi %add3A_241, %rem3A_242 : i32
    %eq3A_244 = vector.broadcast %get3A_0 : i32 to vector<128x50xi32>
    %eq3A_245 = arith.cmpi eq, %iota3A, %eq3A_244 : vector<128x50xi32>
    %eq3A_246 = vector.broadcast %rem3A_243 : i32 to vector<128x50xi32>
    %eq3A_247 = arith.cmpi eq, %iota3A_4, %eq3A_246 : vector<128x50xi32>
    %and3A_248 = arith.andi %eq3A_245, %eq3A_247 : vector<128x50xi1>
    %get3A_249 = arith.constant 16 : index
    %get3A_250 = memref.load %arg1[%get3A_249] : memref<32xi32, #tpu.memory_space<smem>>
    %broadcast_in_dim3A_251 = vector.broadcast %get3A_250 : i32 to vector<128x50xi32>
    %select_n3A_252 = arith.select %and3A_248, %broadcast_in_dim3A_251, %select_n3A_239 : vector<128x50xi1>, vector<128x50xi32>
    %add3A_253 = arith.constant 17 : i32
    %add3A_254 = arith.addi %rem3A_3, %add3A_253 : i32
    %rem3A_255 = arith.constant 50 : i32
    %rem3A_256 = arith.remsi %add3A_254, %rem3A_255 : i32
    %eq3A_257 = vector.broadcast %get3A_0 : i32 to vector<128x50xi32>
    %eq3A_258 = arith.cmpi eq, %iota3A, %eq3A_257 : vector<128x50xi32>
    %eq3A_259 = vector.broadcast %rem3A_256 : i32 to vector<128x50xi32>
    %eq3A_260 = arith.cmpi eq, %iota3A_4, %eq3A_259 : vector<128x50xi32>
    %and3A_261 = arith.andi %eq3A_258, %eq3A_260 : vector<128x50xi1>
    %get3A_262 = arith.constant 17 : index
    %get3A_263 = memref.load %arg1[%get3A_262] : memref<32xi32, #tpu.memory_space<smem>>
    %broadcast_in_dim3A_264 = vector.broadcast %get3A_263 : i32 to vector<128x50xi32>
    %select_n3A_265 = arith.select %and3A_261, %broadcast_in_dim3A_264, %select_n3A_252 : vector<128x50xi1>, vector<128x50xi32>
    %add3A_266 = arith.constant 18 : i32
    %add3A_267 = arith.addi %rem3A_3, %add3A_266 : i32
    %rem3A_268 = arith.constant 50 : i32
    %rem3A_269 = arith.remsi %add3A_267, %rem3A_268 : i32
    %eq3A_270 = vector.broadcast %get3A_0 : i32 to vector<128x50xi32>
    %eq3A_271 = arith.cmpi eq, %iota3A, %eq3A_270 : vector<128x50xi32>
    %eq3A_272 = vector.broadcast %rem3A_269 : i32 to vector<128x50xi32>
    %eq3A_273 = arith.cmpi eq, %iota3A_4, %eq3A_272 : vector<128x50xi32>
    %and3A_274 = arith.andi %eq3A_271, %eq3A_273 : vector<128x50xi1>
    %get3A_275 = arith.constant 18 : index
    %get3A_276 = memref.load %arg1[%get3A_275] : memref<32xi32, #tpu.memory_space<smem>>
    %broadcast_in_dim3A_277 = vector.broadcast %get3A_276 : i32 to vector<128x50xi32>
    %select_n3A_278 = arith.select %and3A_274, %broadcast_in_dim3A_277, %select_n3A_265 : vector<128x50xi1>, vector<128x50xi32>
    %add3A_279 = arith.constant 19 : i32
    %add3A_280 = arith.addi %rem3A_3, %add3A_279 : i32
    %rem3A_281 = arith.constant 50 : i32
    %rem3A_282 = arith.remsi %add3A_280, %rem3A_281 : i32
    %eq3A_283 = vector.broadcast %get3A_0 : i32 to vector<128x50xi32>
    %eq3A_284 = arith.cmpi eq, %iota3A, %eq3A_283 : vector<128x50xi32>
    %eq3A_285 = vector.broadcast %rem3A_282 : i32 to vector<128x50xi32>
    %eq3A_286 = arith.cmpi eq, %iota3A_4, %eq3A_285 : vector<128x50xi32>
    %and3A_287 = arith.andi %eq3A_284, %eq3A_286 : vector<128x50xi1>
    %get3A_288 = arith.constant 19 : index
    %get3A_289 = memref.load %arg1[%get3A_288] : memref<32xi32, #tpu.memory_space<smem>>
    %broadcast_in_dim3A_290 = vector.broadcast %get3A_289 : i32 to vector<128x50xi32>
    %select_n3A_291 = arith.select %and3A_287, %broadcast_in_dim3A_290, %select_n3A_278 : vector<128x50xi1>, vector<128x50xi32>
    %add3A_292 = arith.constant 20 : i32
    %add3A_293 = arith.addi %rem3A_3, %add3A_292 : i32
    %rem3A_294 = arith.constant 50 : i32
    %rem3A_295 = arith.remsi %add3A_293, %rem3A_294 : i32
    %eq3A_296 = vector.broadcast %get3A_0 : i32 to vector<128x50xi32>
    %eq3A_297 = arith.cmpi eq, %iota3A, %eq3A_296 : vector<128x50xi32>
    %eq3A_298 = vector.broadcast %rem3A_295 : i32 to vector<128x50xi32>
    %eq3A_299 = arith.cmpi eq, %iota3A_4, %eq3A_298 : vector<128x50xi32>
    %and3A_300 = arith.andi %eq3A_297, %eq3A_299 : vector<128x50xi1>
    %get3A_301 = arith.constant 20 : index
    %get3A_302 = memref.load %arg1[%get3A_301] : memref<32xi32, #tpu.memory_space<smem>>
    %broadcast_in_dim3A_303 = vector.broadcast %get3A_302 : i32 to vector<128x50xi32>
    %select_n3A_304 = arith.select %and3A_300, %broadcast_in_dim3A_303, %select_n3A_291 : vector<128x50xi1>, vector<128x50xi32>
    %add3A_305 = arith.constant 21 : i32
    %add3A_306 = arith.addi %rem3A_3, %add3A_305 : i32
    %rem3A_307 = arith.constant 50 : i32
    %rem3A_308 = arith.remsi %add3A_306, %rem3A_307 : i32
    %eq3A_309 = vector.broadcast %get3A_0 : i32 to vector<128x50xi32>
    %eq3A_310 = arith.cmpi eq, %iota3A, %eq3A_309 : vector<128x50xi32>
    %eq3A_311 = vector.broadcast %rem3A_308 : i32 to vector<128x50xi32>
    %eq3A_312 = arith.cmpi eq, %iota3A_4, %eq3A_311 : vector<128x50xi32>
    %and3A_313 = arith.andi %eq3A_310, %eq3A_312 : vector<128x50xi1>
    %get3A_314 = arith.constant 21 : index
    %get3A_315 = memref.load %arg1[%get3A_314] : memref<32xi32, #tpu.memory_space<smem>>
    %broadcast_in_dim3A_316 = vector.broadcast %get3A_315 : i32 to vector<128x50xi32>
    %select_n3A_317 = arith.select %and3A_313, %broadcast_in_dim3A_316, %select_n3A_304 : vector<128x50xi1>, vector<128x50xi32>
    %add3A_318 = arith.constant 22 : i32
    %add3A_319 = arith.addi %rem3A_3, %add3A_318 : i32
    %rem3A_320 = arith.constant 50 : i32
    %rem3A_321 = arith.remsi %add3A_319, %rem3A_320 : i32
    %eq3A_322 = vector.broadcast %get3A_0 : i32 to vector<128x50xi32>
    %eq3A_323 = arith.cmpi eq, %iota3A, %eq3A_322 : vector<128x50xi32>
    %eq3A_324 = vector.broadcast %rem3A_321 : i32 to vector<128x50xi32>
    %eq3A_325 = arith.cmpi eq, %iota3A_4, %eq3A_324 : vector<128x50xi32>
    %and3A_326 = arith.andi %eq3A_323, %eq3A_325 : vector<128x50xi1>
    %get3A_327 = arith.constant 22 : index
    %get3A_328 = memref.load %arg1[%get3A_327] : memref<32xi32, #tpu.memory_space<smem>>
    %broadcast_in_dim3A_329 = vector.broadcast %get3A_328 : i32 to vector<128x50xi32>
    %select_n3A_330 = arith.select %and3A_326, %broadcast_in_dim3A_329, %select_n3A_317 : vector<128x50xi1>, vector<128x50xi32>
    %add3A_331 = arith.constant 23 : i32
    %add3A_332 = arith.addi %rem3A_3, %add3A_331 : i32
    %rem3A_333 = arith.constant 50 : i32
    %rem3A_334 = arith.remsi %add3A_332, %rem3A_333 : i32
    %eq3A_335 = vector.broadcast %get3A_0 : i32 to vector<128x50xi32>
    %eq3A_336 = arith.cmpi eq, %iota3A, %eq3A_335 : vector<128x50xi32>
    %eq3A_337 = vector.broadcast %rem3A_334 : i32 to vector<128x50xi32>
    %eq3A_338 = arith.cmpi eq, %iota3A_4, %eq3A_337 : vector<128x50xi32>
    %and3A_339 = arith.andi %eq3A_336, %eq3A_338 : vector<128x50xi1>
    %get3A_340 = arith.constant 23 : index
    %get3A_341 = memref.load %arg1[%get3A_340] : memref<32xi32, #tpu.memory_space<smem>>
    %broadcast_in_dim3A_342 = vector.broadcast %get3A_341 : i32 to vector<128x50xi32>
    %select_n3A_343 = arith.select %and3A_339, %broadcast_in_dim3A_342, %select_n3A_330 : vector<128x50xi1>, vector<128x50xi32>
    %add3A_344 = arith.constant 24 : i32
    %add3A_345 = arith.addi %rem3A_3, %add3A_344 : i32
    %rem3A_346 = arith.constant 50 : i32
    %rem3A_347 = arith.remsi %add3A_345, %rem3A_346 : i32
    %eq3A_348 = vector.broadcast %get3A_0 : i32 to vector<128x50xi32>
    %eq3A_349 = arith.cmpi eq, %iota3A, %eq3A_348 : vector<128x50xi32>
    %eq3A_350 = vector.broadcast %rem3A_347 : i32 to vector<128x50xi32>
    %eq3A_351 = arith.cmpi eq, %iota3A_4, %eq3A_350 : vector<128x50xi32>
    %and3A_352 = arith.andi %eq3A_349, %eq3A_351 : vector<128x50xi1>
    %get3A_353 = arith.constant 24 : index
    %get3A_354 = memref.load %arg1[%get3A_353] : memref<32xi32, #tpu.memory_space<smem>>
    %broadcast_in_dim3A_355 = vector.broadcast %get3A_354 : i32 to vector<128x50xi32>
    %select_n3A_356 = arith.select %and3A_352, %broadcast_in_dim3A_355, %select_n3A_343 : vector<128x50xi1>, vector<128x50xi32>
    %add3A_357 = arith.constant 25 : i32
    %add3A_358 = arith.addi %rem3A_3, %add3A_357 : i32
    %rem3A_359 = arith.constant 50 : i32
    %rem3A_360 = arith.remsi %add3A_358, %rem3A_359 : i32
    %eq3A_361 = vector.broadcast %get3A_0 : i32 to vector<128x50xi32>
    %eq3A_362 = arith.cmpi eq, %iota3A, %eq3A_361 : vector<128x50xi32>
    %eq3A_363 = vector.broadcast %rem3A_360 : i32 to vector<128x50xi32>
    %eq3A_364 = arith.cmpi eq, %iota3A_4, %eq3A_363 : vector<128x50xi32>
    %and3A_365 = arith.andi %eq3A_362, %eq3A_364 : vector<128x50xi1>
    %get3A_366 = arith.constant 25 : index
    %get3A_367 = memref.load %arg1[%get3A_366] : memref<32xi32, #tpu.memory_space<smem>>
    %broadcast_in_dim3A_368 = vector.broadcast %get3A_367 : i32 to vector<128x50xi32>
    %select_n3A_369 = arith.select %and3A_365, %broadcast_in_dim3A_368, %select_n3A_356 : vector<128x50xi1>, vector<128x50xi32>
    %add3A_370 = arith.constant 26 : i32
    %add3A_371 = arith.addi %rem3A_3, %add3A_370 : i32
    %rem3A_372 = arith.constant 50 : i32
    %rem3A_373 = arith.remsi %add3A_371, %rem3A_372 : i32
    %eq3A_374 = vector.broadcast %get3A_0 : i32 to vector<128x50xi32>
    %eq3A_375 = arith.cmpi eq, %iota3A, %eq3A_374 : vector<128x50xi32>
    %eq3A_376 = vector.broadcast %rem3A_373 : i32 to vector<128x50xi32>
    %eq3A_377 = arith.cmpi eq, %iota3A_4, %eq3A_376 : vector<128x50xi32>
    %and3A_378 = arith.andi %eq3A_375, %eq3A_377 : vector<128x50xi1>
    %get3A_379 = arith.constant 26 : index
    %get3A_380 = memref.load %arg1[%get3A_379] : memref<32xi32, #tpu.memory_space<smem>>
    %broadcast_in_dim3A_381 = vector.broadcast %get3A_380 : i32 to vector<128x50xi32>
    %select_n3A_382 = arith.select %and3A_378, %broadcast_in_dim3A_381, %select_n3A_369 : vector<128x50xi1>, vector<128x50xi32>
    %add3A_383 = arith.constant 27 : i32
    %add3A_384 = arith.addi %rem3A_3, %add3A_383 : i32
    %rem3A_385 = arith.constant 50 : i32
    %rem3A_386 = arith.remsi %add3A_384, %rem3A_385 : i32
    %eq3A_387 = vector.broadcast %get3A_0 : i32 to vector<128x50xi32>
    %eq3A_388 = arith.cmpi eq, %iota3A, %eq3A_387 : vector<128x50xi32>
    %eq3A_389 = vector.broadcast %rem3A_386 : i32 to vector<128x50xi32>
    %eq3A_390 = arith.cmpi eq, %iota3A_4, %eq3A_389 : vector<128x50xi32>
    %and3A_391 = arith.andi %eq3A_388, %eq3A_390 : vector<128x50xi1>
    %get3A_392 = arith.constant 27 : index
    %get3A_393 = memref.load %arg1[%get3A_392] : memref<32xi32, #tpu.memory_space<smem>>
    %broadcast_in_dim3A_394 = vector.broadcast %get3A_393 : i32 to vector<128x50xi32>
    %select_n3A_395 = arith.select %and3A_391, %broadcast_in_dim3A_394, %select_n3A_382 : vector<128x50xi1>, vector<128x50xi32>
    %add3A_396 = arith.constant 28 : i32
    %add3A_397 = arith.addi %rem3A_3, %add3A_396 : i32
    %rem3A_398 = arith.constant 50 : i32
    %rem3A_399 = arith.remsi %add3A_397, %rem3A_398 : i32
    %eq3A_400 = vector.broadcast %get3A_0 : i32 to vector<128x50xi32>
    %eq3A_401 = arith.cmpi eq, %iota3A, %eq3A_400 : vector<128x50xi32>
    %eq3A_402 = vector.broadcast %rem3A_399 : i32 to vector<128x50xi32>
    %eq3A_403 = arith.cmpi eq, %iota3A_4, %eq3A_402 : vector<128x50xi32>
    %and3A_404 = arith.andi %eq3A_401, %eq3A_403 : vector<128x50xi1>
    %get3A_405 = arith.constant 28 : index
    %get3A_406 = memref.load %arg1[%get3A_405] : memref<32xi32, #tpu.memory_space<smem>>
    %broadcast_in_dim3A_407 = vector.broadcast %get3A_406 : i32 to vector<128x50xi32>
    %select_n3A_408 = arith.select %and3A_404, %broadcast_in_dim3A_407, %select_n3A_395 : vector<128x50xi1>, vector<128x50xi32>
    %add3A_409 = arith.constant 29 : i32
    %add3A_410 = arith.addi %rem3A_3, %add3A_409 : i32
    %rem3A_411 = arith.constant 50 : i32
    %rem3A_412 = arith.remsi %add3A_410, %rem3A_411 : i32
    %eq3A_413 = vector.broadcast %get3A_0 : i32 to vector<128x50xi32>
    %eq3A_414 = arith.cmpi eq, %iota3A, %eq3A_413 : vector<128x50xi32>
    %eq3A_415 = vector.broadcast %rem3A_412 : i32 to vector<128x50xi32>
    %eq3A_416 = arith.cmpi eq, %iota3A_4, %eq3A_415 : vector<128x50xi32>
    %and3A_417 = arith.andi %eq3A_414, %eq3A_416 : vector<128x50xi1>
    %get3A_418 = arith.constant 29 : index
    %get3A_419 = memref.load %arg1[%get3A_418] : memref<32xi32, #tpu.memory_space<smem>>
    %broadcast_in_dim3A_420 = vector.broadcast %get3A_419 : i32 to vector<128x50xi32>
    %select_n3A_421 = arith.select %and3A_417, %broadcast_in_dim3A_420, %select_n3A_408 : vector<128x50xi1>, vector<128x50xi32>
    %add3A_422 = arith.constant 30 : i32
    %add3A_423 = arith.addi %rem3A_3, %add3A_422 : i32
    %rem3A_424 = arith.constant 50 : i32
    %rem3A_425 = arith.remsi %add3A_423, %rem3A_424 : i32
    %eq3A_426 = vector.broadcast %get3A_0 : i32 to vector<128x50xi32>
    %eq3A_427 = arith.cmpi eq, %iota3A, %eq3A_426 : vector<128x50xi32>
    %eq3A_428 = vector.broadcast %rem3A_425 : i32 to vector<128x50xi32>
    %eq3A_429 = arith.cmpi eq, %iota3A_4, %eq3A_428 : vector<128x50xi32>
    %and3A_430 = arith.andi %eq3A_427, %eq3A_429 : vector<128x50xi1>
    %get3A_431 = arith.constant 30 : index
    %get3A_432 = memref.load %arg1[%get3A_431] : memref<32xi32, #tpu.memory_space<smem>>
    %broadcast_in_dim3A_433 = vector.broadcast %get3A_432 : i32 to vector<128x50xi32>
    %select_n3A_434 = arith.select %and3A_430, %broadcast_in_dim3A_433, %select_n3A_421 : vector<128x50xi1>, vector<128x50xi32>
    %add3A_435 = arith.constant 31 : i32
    %add3A_436 = arith.addi %rem3A_3, %add3A_435 : i32
    %rem3A_437 = arith.constant 50 : i32
    %rem3A_438 = arith.remsi %add3A_436, %rem3A_437 : i32
    %eq3A_439 = vector.broadcast %get3A_0 : i32 to vector<128x50xi32>
    %eq3A_440 = arith.cmpi eq, %iota3A, %eq3A_439 : vector<128x50xi32>
    %eq3A_441 = vector.broadcast %rem3A_438 : i32 to vector<128x50xi32>
    %eq3A_442 = arith.cmpi eq, %iota3A_4, %eq3A_441 : vector<128x50xi32>
    %and3A_443 = arith.andi %eq3A_440, %eq3A_442 : vector<128x50xi1>
    %get3A_444 = arith.constant 31 : index
    %get3A_445 = memref.load %arg1[%get3A_444] : memref<32xi32, #tpu.memory_space<smem>>
    %broadcast_in_dim3A_446 = vector.broadcast %get3A_445 : i32 to vector<128x50xi32>
    %select_n3A_447 = arith.select %and3A_443, %broadcast_in_dim3A_446, %select_n3A_434 : vector<128x50xi1>, vector<128x50xi32>
    %swap3A_448 = arith.constant 0 : index
    %swap3A_449 = arith.constant 0 : index
    %swap3A_450 = vector.load %arg7[%swap3A_448, %swap3A_449] : memref<128x50xi32, #tpu.memory_space<vmem>>, vector<128x50xi32>
    tpu.vector_store %arg7[%swap3A_448, %swap3A_449], %select_n3A_447 {strides = array<i32>} : memref<128x50xi32, #tpu.memory_space<vmem>>, vector<128x50xi32>,
    %iota3A_451 = tpu.iota {dimensions = array<i32: 1>} : vector<1x128xi32>
    %add3A_452 = arith.constant 32 : i32
    %add3A_453 = arith.addi %get3A_2, %add3A_452 : i32
    %rem3A_454 = arith.constant 50 : i32
    %rem3A_455 = arith.remsi %add3A_453, %rem3A_454 : i32
    %eq3A_456 = vector.broadcast %get3A_0 : i32 to vector<1x128xi32>
    %eq3A_457 = arith.cmpi eq, %iota3A_451, %eq3A_456 : vector<1x128xi32>
    %get3A_458 = arith.constant 0 : index
    %get3A_459 = arith.constant 0 : index
    %get3A_460 = vector.load %arg2[%get3A_458, %get3A_459] : memref<1x128xi32, #tpu.memory_space<vmem>>, vector<1x128xi32>
    %broadcast_in_dim3A_461 = vector.broadcast %rem3A_455 : i32 to vector<1x128xi32>
    %select_n3A_462 = arith.select %eq3A_457, %broadcast_in_dim3A_461, %get3A_460 : vector<1x128xi1>, vector<1x128xi32>
    %swap3A_463 = arith.constant 0 : index
    %swap3A_464 = arith.constant 0 : index
    %swap3A_465 = vector.load %arg10[%swap3A_463, %swap3A_464] : memref<1x128xi32, #tpu.memory_space<vmem>>, vector<1x128xi32>
    tpu.vector_store %arg10[%swap3A_463, %swap3A_464], %select_n3A_462 {strides = array<i32>} : memref<1x128xi32, #tpu.memory_space<vmem>>, vector<1x128xi32>,
    %eq3A_466 = vector.broadcast %get3A_0 : i32 to vector<1x128xi32>
    %eq3A_467 = arith.cmpi eq, %iota3A_451, %eq3A_466 : vector<1x128xi32>
    %get3A_468 = arith.constant 0 : index
    %get3A_469 = arith.constant 0 : index
    %get3A_470 = vector.load %arg3[%get3A_468, %get3A_469] : memref<1x128xi32, #tpu.memory_space<vmem>>, vector<1x128xi32>
    %add3A_471 = arith.constant 32 : i32
    %add3A_472 = vector.broadcast %add3A_471 : i32 to vector<1x128xi32>
    %add3A_473 = arith.addi %get3A_470, %add3A_472 : vector<1x128xi32>
    %get3A_474 = arith.constant 0 : index
    %get3A_475 = arith.constant 0 : index
    %get3A_476 = vector.load %arg3[%get3A_474, %get3A_475] : memref<1x128xi32, #tpu.memory_space<vmem>>, vector<1x128xi32>
    %select_n3A_477 = arith.select %eq3A_467, %add3A_473, %get3A_476 : vector<1x128xi1>, vector<1x128xi32>
    %lt3A_478 = arith.constant 50 : i32
    %lt3A_479 = vector.broadcast %lt3A_478 : i32 to vector<1x128xi32>
    %lt3A_480 = arith.cmpi slt, %select_n3A_477, %lt3A_479 : vector<1x128xi32>
    %jit3A_481 = arith.constant 49 : i64
    %convert_element_type3A = arith.trunci %jit3A_481 : i64 to i32
    %broadcast_in_dim3A_482 = vector.broadcast %convert_element_type3A : i32 to vector<1x128xi32>
    %select_n3A_483 = arith.select %lt3A_480, %select_n3A_477, %broadcast_in_dim3A_482 : vector<1x128xi1>, vector<1x128xi32>
    %swap3A_484 = arith.constant 0 : index
    %swap3A_485 = arith.constant 0 : index
    %swap3A_486 = vector.load %arg11[%swap3A_484, %swap3A_485] : memref<1x128xi32, #tpu.memory_space<vmem>>, vector<1x128xi32>
    tpu.vector_store %arg11[%swap3A_484, %swap3A_485], %select_n3A_483 {strides = array<i32>} : memref<1x128xi32, #tpu.memory_space<vmem>>, vector<1x128xi32>,
    return
  }
}

</mosaic_0001>

<sc_bundles>
// kernel: kernel.4.cloned.1.call-start
scs
__scs_entry_jumppad:
0x0: {  	(pc) =	sbr.rel $0x88, $3  }
0x1: {  	(tag) =	ssettag $0x0;
	lr =	simm.s32 $0x1  }
0x2: {  	[smem:$0x3F99] =	sst lr;
	_ =	strace $0xD0000000  }
0x3: {  	_ = 	snop  }
0x4: {  	_ = 	snop  }
0x5: {  	_ = 	snop  }
0x6: {  	_ = 	snop  }
0x7: {  	_ = 	snop  }
__scs_overlays_trampoline_lowered:
0x8: {  	[smem:$0x3FA8] =	sst s0  }
0x9: {  	[smem:$0x3FA9] =	sst s1  }
0xa: {  	[smem:$0x3FAA] =	sst s2  }
0xb: {  	[smem:$0x3FAB] =	sst s3  }
0xc: {  	[smem:$0x3FAC] =	sst s4  }
0xd: {  	[smem:$0x3FAD] =	sst s5  }
0xe: {  	[smem:$0x3FAE] =	sst s6  }
0xf: {  	[smem:$0x3FAF] =	sst s7  }
0x10: {  	[smem:$0x3FB0] =	sst s8  }
0x11: {  	[smem:$0x3FB1] =	sst s9;
	s0 =	simm.s32 @!p0 $0x0  }
0x12: {  	s1 =	sld [smem:$0x3F97];
	s0 =	simm.s32 @p0 $0x1  }
0x13: {  	[smem:$0x3FB2] =	sst s0;
	s0 =	simm.s32 @!p1 $0x0  }
0x14: {  	s2 =	sld [smem:$0x3F96];
	s0 =	simm.s32 @p1 $0x1  }
0x15: {  	[smem:$0x3FB3] =	sst s0;
	s0 =	simm.s32 @!p2 $0x0  }
0x16: {  	s3 =	sld [smem:$0x3FDB];
	s0 =	simm.s32 @p2 $0x1  }
0x17: {  	s4 =	simm.s32 $0x1BF5;
	[smem:$0x3FB5] =	sst s0  }
0x18: {  	s0 =	sld [smem:$0x3F98];
	_ =	swait.ge [sflag:s4], $0x0  }
0x19: {  	s7 =	sld [smem:$0x3F99]  }
0x1a: {  	s8 =	sadd.s32 $0xFFFFE003, lr  }
0x1b: {  	s9 =	sadd.s32 $0xFFFFFEF7, lr;
	s5 =	simm.s32 $0xFFFFFFFF;
	p2 =	slt.u32 s8, $0xFFFFF086  }
0x1c: {  	p1 =	slt.u32 s9, $0xF7A;
	s5 =	simm.s32 @!p2 $0x0  }
0x1d: {  	s5 =	simm.s32 @p1 $0x1;
	p0 =	seq.s32 s7, s2  }
0x1e: {  	s7 =	smul.u32 @!p0 $0xF7A, s2;
	p2 =	seq.s32 @!p0 s5, $0x0  }
0x1f: {  	s9 =	smul.u32 $0xF7A, s1;
	s8 =	simm.s32 @!p0 $0x1BF5;
	p2 =	por !p2, p0  }
0x20: {  	[sflag:s8] =	ssyncset.s32 @!p0 $0xFFFFF086;
	s6 =	sadd.s32 @!p0 s3, s7;
	s7 =	simm.s32 @!p0 $0x108  }
0x21: {  	s3 =	sadd.s32 s3, s9;
	s6 =	sadd.s32 @!p0 $0x88, s6;
	s7 =	simm.s32 @p2 $0x1082  }
0x22: {  	[simem:s7], [sflag:s8] =	dma.local @!p0 [hbm:s6], $0xF7A  }
0x23: {  	s9 =	sor.u32 $0xD0000000, s2;
	s6 =	simm.s32 $0x108;
	_ =	swait.ge @!p0 [sflag:s8], $0x0  }
0x24: {  	s3 =	sadd.s32 $0x88, s3;
	s6 =	simm.s32 @!p1 $0x1082;
	[sflag:s4] =	ssyncset.s32 $0xFFFFF086  }
0x25: {  	[simem:s6], [sflag:s4] =	dma.local [hbm:s3], $0xF7A  }
0x26: {  	[smem:$0x3F99] =	sst s1;
	(tag) =	ssettag s2;
	_ =	strace s9  }
0x27: {  	s1 =	sld [smem:$0x3FA9]  }
0x28: {  	s2 =	sld [smem:$0x3FAA]  }
0x29: {  	s4 =	sld [smem:$0x3FAC]  }
0x2a: {  	p0 =	seq.s32 s5, $0x0;
	s5 =	sld [smem:$0x3FAD]  }
0x2b: {  	s6 =	sld [smem:$0x3FAE]  }
0x2c: {  	s7 =	sld [smem:$0x3FAF]  }
0x2d: {  	s3 =	simm.s32 $0x108;
	s8 =	sld [smem:$0x3FB0]  }
0x2e: {  	s3 =	simm.s32 @!p0 $0x1082;
	s9 =	sld [smem:$0x3FB1]  }
0x2f: {  	lr =	sadd.s32 s0, s3;
	s0 =	sld [smem:$0x3FA8]  }
0x30: {  	s3 =	sld [smem:$0x3FAB]  }
0x31: {  	[smem:$0x3FB4] =	sst s10  }
0x32: {  	s10 =	sld [smem:$0x3FB2];
	_ =	sdelay $0x3  }
0x33: {  	p0 =	seq.s32 s10, $0x1;
	s10 =	sld [smem:$0x3FB4];
	_ =	sdelay $0x3  }
0x34: {  	[smem:$0x3FB4] =	sst s10  }
0x35: {  	s10 =	sld [smem:$0x3FB3];
	_ =	sdelay $0x3  }
0x36: {  	p1 =	seq.s32 s10, $0x1;
	s10 =	sld [smem:$0x3FB4];
	_ =	sdelay $0x3  }
0x37: {  	[smem:$0x3FB4] =	sst s10  }
0x38: {  	s10 =	sld [smem:$0x3FB5]  }
0x39: {  	_ = 	snop;
	(pc) =	sbr.ind lr, $3  }
0x3a: {  	_ = 	snop  }
0x3b: {  	_ = 	snop  }
0x3c: {  	p2 =	seq.s32 s10, $0x1;
	s10 =	sld [smem:$0x3FB4]  }
0x3d: {  	_ =	shalt  }
0x3e: {  	_ =	shalt  }
0x3f: {  	_ =	shalt  }
0x40: {  	_ =	shalt  }
0x41: {  	_ =	shalt  }
0x42: {  	_ =	shalt  }
0x43: {  	_ =	shalt  }
0x44: {  	_ =	shalt  }
0x45: {  	_ =	shalt  }
0x46: {  	_ =	shalt  }
0x47: {  	_ =	shalt  }
0x48: {  	_ =	shalt  }
0x49: {  	_ =	shalt  }
0x4a: {  	_ =	shalt  }
0x4b: {  	_ =	shalt  }
0x4c: {  	_ =	shalt  }
0x4d: {  	_ =	shalt  }
0x4e: {  	_ =	shalt  }
0x4f: {  	_ =	shalt  }
0x50: {  	_ =	shalt  }
0x51: {  	_ =	shalt  }
0x52: {  	_ =	shalt  }
0x53: {  	_ =	shalt  }
0x54: {  	_ =	shalt  }
0x55: {  	_ =	shalt  }
0x56: {  	_ =	shalt  }
0x57: {  	_ =	shalt  }
0x58: {  	_ =	shalt  }
0x59: {  	_ =	shalt  }
0x5a: {  	_ =	shalt  }
0x5b: {  	_ =	shalt  }
0x5c: {  	_ =	shalt  }
0x5d: {  	_ =	shalt  }
0x5e: {  	_ =	shalt  }
0x5f: {  	_ =	shalt  }
0x60: {  	_ =	shalt  }
0x61: {  	_ =	shalt  }
0x62: {  	_ =	shalt  }
0x63: {  	_ =	shalt  }
0x64: {  	_ =	shalt  }
0x65: {  	_ =	shalt  }
0x66: {  	_ =	shalt  }
0x67: {  	_ =	shalt  }
0x68: {  	_ =	shalt  }
0x69: {  	_ =	shalt  }
0x6a: {  	_ =	shalt  }
0x6b: {  	_ =	shalt  }
0x6c: {  	_ =	shalt  }
0x6d: {  	_ =	shalt  }
0x6e: {  	_ =	shalt  }
0x6f: {  	_ =	shalt  }
0x70: {  	_ =	shalt  }
0x71: {  	_ =	shalt  }
0x72: {  	_ =	shalt  }
0x73: {  	_ =	shalt  }
0x74: {  	_ =	shalt  }
0x75: {  	_ =	shalt  }
0x76: {  	_ =	shalt  }
0x77: {  	_ =	shalt  }
0x78: {  	_ =	shalt  }
0x79: {  	_ =	shalt  }
0x7a: {  	_ =	shalt  }
0x7b: {  	_ =	shalt  }
0x7c: {  	_ =	shalt  }
0x7d: {  	_ =	shalt  }
0x7e: {  	_ =	shalt  }
0x7f: {  	_ =	shalt  }
0x80: {  	_ =	shalt  }
0x81: {  	_ =	shalt  }
0x82: {  	_ =	shalt  }
0x83: {  	_ =	shalt  }
0x84: {  	_ =	shalt  }
0x85: {  	_ =	shalt  }
0x86: {  	_ =	shalt  }
0x87: {  	_ =	shalt  }
.Lfunc_end0:
.L_simem_size_0:
called_computation_lowered:
.L_overlay_start_0:
0x88: {  	s2 =	sld [smem:$0x3FD9]  }
0x89: {  	s3 =	sld [smem:$0x3FFE];
	_ =	sdelay $0x1  }
0x8a: {  	s1 =	srdreg.scid  }
0x8b: {  	s0 =	sand.u32 $0x1, s1  }
0x8c: {  	s14 =	sshll.u32 s0, $0xA;
	s2 =	sadd.s32 s3, s2  }
0x8d: {  	s2 =	sadd.s32 s2, s14  }
0x8e: {  	[smem:$0x3FC0] =	sst s2  }
0x8f: {  	_ = 	snop  }
0x90: {  	s2 =	sld [smem:$0x3FD0];
	_ =	sdelay $0x2  }
0x91: {  	s15 =	simm.s32 $0xA;
	s4 =	simm.s32 $0x10  }
0x92: {  	[smem:s4], [sflag:s15] =	dma.local [hbm:s2], $0x1  }
0x93: {  	_ =	swait.eq [sflag:s15], $0x1  }
0x94: {  	[sflag:s15] =	ssyncset.done $0x0  }
0x95: {  	[sflag:s15] =	ssyncadd.s32 $0xFFFFFFFF  }
0x96: {  	s16 =	sld [smem:$0x10];
	(tm) =	ssettm $0x1  }
0x97: {  	s17 =	sld [smem:$0x3FFB];
	_ =	sdelay $0x3  }
0x98: {  	_ =	strace s17  }
0x99: {  	s3 =	sld [smem:$0x3FFC];
	_ =	sdelay $0x3  }
0x9a: {  	_ =	strace s3  }
0x9b: {  	s3 =	sld [smem:$0x3FFD];
	_ =	sdelay $0x3  }
0x9c: {  	_ =	strace s3  }
0x9d: {  	_ =	strace $0x8FFFFFFF  }
0x9e: {  	s18 =	sld [smem:$0x3FDB];
	_ =	sdelay $0x1  }
0x9f: {  	s19 =	simm.s32 $_scs_section_size  }
0xa0: {  	s5 =	simm.s32 $_size__tile_overlayer_lowered;
	s6 =	simm.s32 $_tile_overlayer_lowered  }
0xa1: {  	s22 =	simm.s32 $0x1BFF;
	s21 =	sshll.u32 s6, $0x1;
	s3 =	sadd.s32 s19, s18  }
0xa2: {  	s7 =	simm.s32 $0x0;
	s20 =	sshll.u32 s5, $0x1;
	s5 =	sadd.s32 s21, s3  }
0xa3: {  	[timem:s7], [sflag:s22] =	dma.local [hbm:s5], s20  }
0xa4: {  	_ =	swait.ge [sflag:s22], s20  }
0xa5: {  	s4 =	ssub.s32 $0x0, s20;
	[sflag:s22] =	ssyncset.done $0x0  }
0xa6: {  	[sflag:s22] =	ssyncadd.s32 s4;
	_ =	sdelay $0x1  }
0xa7: {  	s23 =	simm.s32 $0x1B8B  }
0xa8: {  	_ =	swait.ge [sflag:s23], $0x1  }
0xa9: {  	[sflag:s23] =	ssyncset.done $0x0  }
0xaa: {  	s25 =	simm.s32 $0x1B8E;
	s24 =	sld [smem:$0x3FFE];
	[sflag:s23] =	ssyncadd.s32 $0xFFFFFFFF  }
0xab: {  	s26 =	simm.s32 $execute0_lowered;
	[smem:$0x3FD2] =	sst s25  }
0xac: {  	s5 =	sshll.u32 s26, $0x1;
	_ =	strace $0x80000046;
	[dreg:$0x1] =	wrdreg $0xFFFFFFFF  }
0xad: {  	s28 =	simm.s32 $_size_execute0_lowered;
	s3 =	sadd.s32 s3, s5;
	[dreg:$0x0] =	wrdreg $0x0  }
0xae: {  	s5 =	sshll.u32 s28, $0x1;
	[dreg:$0x2] =	wrdreg s3  }
0xaf: {  	[dreg:$0x3] =	wrdreg s5  }
0xb0: {  	[dreg:$0x4] =	wrdreg $0xC0  }
0xb1: {  	_ =	task [dreg:s7], $0x5FFFF  }
0xb2: {  	[dreg:$0x1] =	wrdreg $0xFFFFFFFF  }
0xb3: {  	[dreg:$0x0] =	wrdreg $0x60  }
0xb4: {  	[dreg:$0x2] =	wrdreg s24  }
0xb5: {  	[dreg:$0x3] =	wrdreg s16  }
0xb6: {  	[dreg:$0x4] =	wrdreg $0x9  }
0xb7: {  	_ =	task.clear_ibuf [dreg:s7], $0x5FFFF;
	_ =	strace $0x90000046  }
0xb8: {  	s29 =	simm.s32 $0x9;
	_ =	strace $0x80000048  }
0xb9: {  	_ =	swait.ge [sflag:s29], $0x1  }
0xba: {  	[sflag:s29] =	ssyncadd.s32 $0xFFFFFFFF  }
0xbb: {  	_ =	strace $0x90000048  }
0xbc: {  	_ =	sfence  }
0xbd: {  	s30 =	sld [smem:$0x0];
	_ =	sdelay $0x2  }
0xbe: {  	s31 =	sshll.u32 s1, $0xD;
	s1 =	sshrl.u32 s1, $0x2  }
0xbf: {  	s3 =	sand.u32 $0x4000, s31;
	s1 =	sadd.s32 s1, s30  }
0xc0: {  	s0 =	sor.u32 s3, s0;
	s1 =	sshll.u32 s1, $0x11  }
0xc1: {  	s0 =	sor.u32 s1, s0  }
0xc2: {  	s0 =	sadd.s32 $0x8F2B, s0  }
0xc3: {  	[sflag:s0] =	ssyncadd.remote.s32 $0x1  }
0xc4: {  	_ =	sfence.sel $0xFFFF  }
0xc5: {  	[dreg:$0x0] =	wrdreg $0xFFFFFFFF;
	(pc) =	sbr.abs _section_cstart, $3  }
0xc6: {  	[dreg:$0x1] =	wrdreg $0xFFFFFFFF  }
0xc7: {  	_ =	task.clear_ibuf [dreg:s7], $0x2FFFF;
	_ =	strace $0x9FFFFFFF  }
0xc8: {  	(tm) =	ssettm $0x7FFFFFFF  }
0xc9: {  	_ =	shalt  }
tec
execute0_lowered:
.L_overlay_start_1:
0x0: {  	(tag) =	ssettag $0x1  }
0x1: {  	s0 =	rddreg [dreg:$0x0]  }
0x2: {  	s11 =	rddreg [dreg:$0x1];
	s3 =	simm.s32 $0x0  }
0x3: {  	[smem:$0x7FF] =	sst s3;
	s6 =	sadd.s32 $0x1400, s0  }
0x4: {  	s20 =	sadd.s32 $0x1410, s0;
	_ =	strace $0x80000047;
	[dreg:$0x3] =	wrdreg s6  }
0x5: {  	s21 =	sadd.s32 $0x1420, s0;
	[dreg:$0x4] =	wrdreg s20  }
0x6: {  	s22 =	sadd.s32 $0x1430, s0;
	[dreg:$0x5] =	wrdreg s21  }
0x7: {  	s23 =	sadd.s32 $0x1440, s0;
	[dreg:$0x6] =	wrdreg s22  }
0x8: {  	s24 =	sadd.s32 $0x1450, s0;
	[dreg:$0x7] =	wrdreg s23  }
0x9: {  	s25 =	sadd.s32 $0x1460, s0;
	[dreg:$0x8] =	wrdreg s24  }
0xa: {  	s26 =	sadd.s32 $0x1470, s0;
	[dreg:$0x9] =	wrdreg s25  }
0xb: {  	s30 =	sadd.s32 $0x1C00, s0;
	[dreg:$0xa] =	wrdreg s26  }
0xc: {  	s31 =	sadd.s32 $0x1C10, s0;
	[dreg:$0xb] =	wrdreg s30  }
0xd: {  	s9 =	sadd.s32 $0x1C40, s0;
	[dreg:$0xc] =	wrdreg s31  }
0xe: {  	s10 =	sadd.s32 $0x1C50, s0;
	[dreg:$0xf] =	wrdreg s9  }
0xf: {  	s12 =	sadd.s32 $0x1C60, s0;
	[dreg:$0x10] =	wrdreg s10  }
0x10: {  	s13 =	sadd.s32 $0x1C70, s0;
	[dreg:$0x11] =	wrdreg s12  }
0x11: {  	s15 =	sadd.s32 $0x2400, s0;
	[dreg:$0x12] =	wrdreg s13  }
0x12: {  	s16 =	sadd.s32 $0x2410, s0;
	[dreg:$0x13] =	wrdreg s15  }
0x13: {  	s1 =	srdreg.scid;
	s17 =	sadd.s32 $0x2420, s0;
	[dreg:$0x14] =	wrdreg s16  }
0x14: {  	s4 =	stileid.u32;
	s18 =	sadd.s32 $0x2430, s0;
	[dreg:$0x15] =	wrdreg s17  }
0x15: {  	s28 =	simm.s32 $0x3;
	s6 =	sadd.s32 $0x1C30, s0;
	[dreg:$0x16] =	wrdreg s18  }
0x16: {  	s29 =	simm.s32 $0x4;
	s20 =	sadd.s32 $0x2450, s0;
	[dreg:$0xe] =	wrdreg s6  }
0x17: {  	s1 =	sand.u32 $0x1, s1;
	s21 =	sadd.s32 $0x2460, s0;
	[dreg:$0x18] =	wrdreg s20  }
0x18: {  	s5 =	sadd.s32 $0x3400, s0;
	s22 =	sadd.s32 $0x2470, s0;
	[dreg:$0x19] =	wrdreg s21  }
0x19: {  	s7 =	sadd.s32 $0x3600, s0;
	s23 =	sadd.s32 $0x2C00, s0;
	[dreg:$0x1a] =	wrdreg s22  }
0x1a: {  	s2 =	sshll.u32 s1, $0x4;
	s24 =	sadd.s32 $0x2C10, s0;
	[dreg:$0x1b] =	wrdreg s23  }
0x1b: {  	s1 =	ssub.s32 $0x2, s1;
	s25 =	sadd.s32 $0x2C20, s0;
	[dreg:$0x1c] =	wrdreg s24  }
0x1c: {  	s26 =	sadd.s32 $0x2C30, s0;
	s30 =	sadd.s32 $0x2C40, s0;
	[dreg:$0x1d] =	wrdreg s25  }
0x1d: {  	s31 =	sadd.s32 $0x2C50, s0;
	s12 =	sadd.s32 $0x2C60, s0;
	[dreg:$0x1e] =	wrdreg s26  }
0x1e: {  	s13 =	sadd.s32 $0x2C70, s0;
	s4 =	sor.u32 s4, s2;
	[dreg:$0x1f] =	wrdreg s30  }
0x1f: {  	s19 =	sshrl.u32 s1, $0x1;
	[smem:$0x7FD] =	sst s31;
	s22 =	simm.s32 $0x1  }
0x20: {  	s23 =	simm.s32 $0x80;
	s24 =	simm.s32 $0x2;
	s2 =	smul.u32 $0xE0000, s4  }
0x21: {  	s25 =	simm.s32 $0x4000;
	s26 =	simm.s32 $0x8000;
	s14 =	ssub.s32 s1, s19  }
.Ltmp0:
0x22: {  	s19 =	sadd.s32 $0x2440, s0;
	s2 =	sshrl.u32 s2, $0x3;
	(pc) =	sbr.rel .LBB2_1-.Ltmp0, $4  }
0x23: {  	[dreg:$0x17] =	wrdreg s19;
	s8 =	sadd.s32 s7, s2;
	s2 =	sadd.s32 $0x1C20, s0  }
0x24: {  	s14 =	smax.u32 s14, $0x1;
	[dreg:$0xd] =	wrdreg s2;
	s15 =	sadd.s32 $0x800, s8  }
0x25: {  	s16 =	sadd.s32 $0x7000, s8;
	s17 =	sadd.s32 $0x7800, s8;
	s18 =	sadd.s32 $0xE000, s8  }
0x26: {  	s19 =	sadd.s32 $0xE800, s8;
	s20 =	sadd.s32 $0x15000, s8;
	s21 =	sadd.s32 $0x15800, s8  }
.LBB2_3:
0x27: {  	s14 =	sadd.s32 $0xFFFFFFFF, s14  }
0x28: {  	p0 =	sne.s32 s14, $0x0  }
.Ltmp1:
0x29: {  	_ = 	snop;
	(pc) =	sbr.rel @!p0 .LBB2_4-.Ltmp1, $1  }
0x2a: {  	_ =	sdelay $0x3  }
.LBB2_1:
0x2b: {  	[tilespmem:s3], [sflag:$0x1] =	stream.linear.gather [hbm4b:s5+s3], $0x80, $0x38;
	[tilespmem:$0x1C080] =	vst v63  }
0x2c: {  	_ =	swait.ge [sflag:s22], $0x80  }
0x2d: {  	[sflag:s22] =	ssyncset.done $0x0  }
0x2e: {  	[sflag:s22] =	ssyncadd.s32 $0xFFFFFF80  }
0x2f: {  	v0 =	vld [tilespmem:$0x0];
	_ =	sdelay $0x4  }
0x30: {  	(v2sf) =	vpush v0, $0x0;
	_ =	sdelay $0xd  }
0x31: {  	[tilespmem:s23], [sflag:$0x2] =	stream.linear.gather [hbm4b:s11+s3], $0x1C000, $0x38;
	[tilespmem:$0x1C080] =	vst v63  }
0x32: {  	s30 =	spop (v2sf)  }
0x33: {  	_ =	swait.ge [sflag:s24], $0x1C000  }
0x34: {  	[sflag:s24] =	ssyncset.done $0x0  }
0x35: {  	[sflag:s24] =	ssyncadd.s32 $0xFFFE4000  }
0x36: {  	[hbm4b:s8+s25] =	stream.strided.scatter [tilespmem:s23], [sflag:$0x3], $0x1C000, s26, s25, $0x38;
	[tilespmem:$0x1C080] =	vst v63  }
0x37: {  	_ = 	snop  }
0x38: {  	[hbm4b:s15+s25] =	stream.strided.scatter [tilespmem:s23], [sflag:$0x3], $0x1C000, s26, s25, $0x38;
	[tilespmem:$0x1C080] =	vst v63  }
0x39: {  	_ = 	snop  }
0x3a: {  	[hbm4b:s16+s25] =	stream.strided.scatter [tilespmem:s23], [sflag:$0x3], $0x1C000, s26, s25, $0x38;
	[tilespmem:$0x1C080] =	vst v63  }
0x3b: {  	_ = 	snop  }
0x3c: {  	[hbm4b:s17+s25] =	stream.strided.scatter [tilespmem:s23], [sflag:$0x3], $0x1C000, s26, s25, $0x38;
	[tilespmem:$0x1C080] =	vst v63  }
0x3d: {  	_ = 	snop  }
0x3e: {  	[hbm4b:s18+s25] =	stream.strided.scatter [tilespmem:s23], [sflag:$0x3], $0x1C000, s26, s25, $0x38;
	[tilespmem:$0x1C080] =	vst v63  }
0x3f: {  	_ = 	snop  }
0x40: {  	[hbm4b:s19+s25] =	stream.strided.scatter [tilespmem:s23], [sflag:$0x3], $0x1C000, s26, s25, $0x38;
	[tilespmem:$0x1C080] =	vst v63  }
0x41: {  	_ = 	snop  }
0x42: {  	[hbm4b:s20+s25] =	stream.strided.scatter [tilespmem:s23], [sflag:$0x3], $0x1C000, s26, s25, $0x38;
	[tilespmem:$0x1C080] =	vst v63  }
0x43: {  	_ = 	snop  }
0x44: {  	[hbm4b:s21+s25] =	stream.strided.scatter [tilespmem:s23], [sflag:$0x3], $0x1C000, s26, s25, $0x38;
	[tilespmem:$0x1C080] =	vst v63  }
0x45: {  	_ =	swait.ge [sflag:s28], $0x1C000  }
0x46: {  	[sflag:s28] =	ssyncset.done $0x0  }
0x47: {  	[sflag:s28] =	ssyncadd.s32 $0xFFFE4000  }
0x48: {  	_ =	swait.ge [sflag:s28], $0x1C000  }
0x49: {  	[sflag:s28] =	ssyncset.done $0x0  }
0x4a: {  	[sflag:s28] =	ssyncadd.s32 $0xFFFE4000  }
0x4b: {  	_ =	swait.ge [sflag:s28], $0x1C000  }
0x4c: {  	[sflag:s28] =	ssyncset.done $0x0  }
0x4d: {  	[sflag:s28] =	ssyncadd.s32 $0xFFFE4000  }
0x4e: {  	_ =	swait.ge [sflag:s28], $0x1C000  }
0x4f: {  	[sflag:s28] =	ssyncset.done $0x0  }
0x50: {  	s0 =	sand.u32 $0x3, s30;
	[sflag:s28] =	ssyncadd.s32 $0xFFFE4000  }
0x51: {  	s31 =	sshra.s32 s30, $0x1F;
	p0 =	slt.s32 s30, $0x1;
	_ =	swait.ge [sflag:s28], $0x1C000  }
0x52: {  	p1 =	sne.s32 s0, $0x0;
	s31 =	sshrl.u32 s31, $0x1E;
	[sflag:s28] =	ssyncset.done $0x0  }
0x53: {  	p0 =	por !p0, !p1;
	s0 =	sadd.s32 s31, s30;
	[sflag:s28] =	ssyncadd.s32 $0xFFFE4000  }
0x54: {  	s31 =	simm.s32 $0x1;
	p0 =	por !p0, !p0;
	_ =	swait.ge [sflag:s28], $0x1C000  }
0x55: {  	s0 =	sshra.s32 s0, $0x2;
	s31 =	simm.s32 @!p0 $0x0;
	[sflag:s28] =	ssyncset.done $0x0  }
0x56: {  	s0 =	ssub.s32 s0, s31;
	[sflag:s28] =	ssyncadd.s32 $0xFFFE4000  }
0x57: {  	p0 =	sne.s32 s0, s4;
	_ =	swait.ge [sflag:s28], $0x1C000  }
.Ltmp2:
0x58: {  	[sflag:s28] =	ssyncset.done $0x0;
	(pc) =	sbr.rel @p0 .LBB2_3-.Ltmp2, $4  }
0x59: {  	[sflag:s28] =	ssyncadd.s32 $0xFFFE4000  }
0x5a: {  	_ =	swait.ge [sflag:s28], $0x1C000  }
0x5b: {  	[sflag:s28] =	ssyncset.done $0x0  }
0x5c: {  	[sflag:s28] =	ssyncadd.s32 $0xFFFE4000  }
0x5d: {  	(v2sf) =	vpush v0, $0x1;
	_ =	sdelay $0xe  }
0x5e: {  	s0 =	spop (v2sf)  }
0x5f: {  	s31 =	smulhi.u32 $0x51EB851F, s0;
	s2 =	sshra.s32 s0, $0x1F  }
0x60: {  	s2 =	smul.u32 $0x51EB851F, s2;
	_ =	sdelay $0x1  }
0x61: {  	s2 =	sadd.s32 s2, s31  }
0x62: {  	s31 =	sshrl.u32 s2, $0x1F;
	s2 =	sshra.s32 s2, $0x4  }
0x63: {  	s2 =	sadd.s32 s31, s2  }
0x64: {  	s2 =	smul.u32 $0x32, s2;
	_ =	sdelay $0x1  }
0x65: {  	s0 =	ssub.s32 s0, s2  }
0x66: {  	s2 =	sadd.s32 $0x1, s0  }
0x67: {  	s9 =	sshll.u32 s2, $0x18  }
0x68: {  	s30 =	smul.u32 $0x38000, s30;
	s1 =	sshll.u32 s0, $0xC;
	s31 =	sshra.s32 s9, $0x18  }
0x69: {  	s6 =	sshll.u32 s0, $0x7;
	s1 =	sand.u32 $0xFFFF8000, s1;
	s31 =	smul.u32 $0x29, s31  }
0x6a: {  	s6 =	sand.u32 $0x380, s6;
	s1 =	sadd.s32 s30, s1  }
0x6b: {  	s10 =	stileid.u32;
	s1 =	sor.u32 s6, s1;
	s9 =	sshra.s32 s31, $0x8  }
0x6c: {  	s1 =	sshrl.u32 s1, $0x3;
	s6 =	sshrl.u32 s31, $0x1F;
	s9 =	sshrl.u32 s9, $0x3  }
0x6d: {  	s10 =	sshll.u32 s10, $0x6;
	s1 =	sadd.s32 s7, s1;
	s6 =	sadd.s32 s6, s9  }
0x6e: {  	s31 =	sor.u32 $0x1C04, s10;
	s10 =	rddreg [dreg:$0x3];
	s6 =	smul.u32 $0x32, s6  }
0x6f: {  	[hbm:s1@s23], [sflag:s31] =	dma.strided [hbm:s10@s23], $0x100, s22, $0x10   }
0x70: {  	s1 =	ssub.s32 s2, s6;
	s2 =	sadd.s32 $0x2, s0  }
0x71: {  	s6 =	sshll.u32 s1, $0x18;
	s10 =	sshll.u32 s2, $0x18  }
0x72: {  	s6 =	sshra.s32 s6, $0x18;
	s9 =	sshra.s32 s10, $0x18  }
0x73: {  	s6 =	sshll.u32 s6, $0xC;
	s9 =	smul.u32 $0x29, s9  }
0x74: {  	s1 =	sshll.u32 s1, $0x7;
	s6 =	sand.u32 $0xFFFF8000, s6  }
0x75: {  	s1 =	sand.u32 $0x380, s1;
	s6 =	sadd.s32 s30, s6;
	s10 =	sshra.s32 s9, $0x8  }
0x76: {  	s9 =	sshrl.u32 s9, $0x1F;
	s1 =	sor.u32 s1, s6;
	s10 =	sshrl.u32 s10, $0x3  }
0x77: {  	s1 =	sshrl.u32 s1, $0x3;
	s6 =	sadd.s32 s9, s10  }
0x78: {  	s10 =	rddreg [dreg:$0x4];
	s1 =	sadd.s32 s7, s1;
	s6 =	smul.u32 $0x32, s6  }
0x79: {  	[hbm:s1@s23], [sflag:s31] =	dma.strided [hbm:s10@s23], $0x100, s22, $0x10   }
0x7a: {  	s1 =	ssub.s32 s2, s6;
	s2 =	sadd.s32 $0x3, s0  }
0x7b: {  	s6 =	sshll.u32 s1, $0x18;
	s10 =	sshll.u32 s2, $0x18  }
0x7c: {  	s6 =	sshra.s32 s6, $0x18;
	s9 =	sshra.s32 s10, $0x18  }
0x7d: {  	s6 =	sshll.u32 s6, $0xC;
	s9 =	smul.u32 $0x29, s9  }
0x7e: {  	s1 =	sshll.u32 s1, $0x7;
	s6 =	sand.u32 $0xFFFF8000, s6  }
0x7f: {  	s1 =	sand.u32 $0x380, s1;
	s6 =	sadd.s32 s30, s6;
	s10 =	sshra.s32 s9, $0x8  }
0x80: {  	s9 =	sshrl.u32 s9, $0x1F;
	s1 =	sor.u32 s1, s6;
	s10 =	sshrl.u32 s10, $0x3  }
0x81: {  	s1 =	sshrl.u32 s1, $0x3;
	s6 =	sadd.s32 s9, s10  }
0x82: {  	s10 =	rddreg [dreg:$0x5];
	s1 =	sadd.s32 s7, s1;
	s6 =	smul.u32 $0x32, s6  }
0x83: {  	[hbm:s1@s23], [sflag:s31] =	dma.strided [hbm:s10@s23], $0x100, s22, $0x10   }
0x84: {  	s1 =	ssub.s32 s2, s6;
	s2 =	sadd.s32 $0x4, s0  }
0x85: {  	s6 =	sshll.u32 s1, $0x18;
	s10 =	sshll.u32 s2, $0x18  }
0x86: {  	s6 =	sshra.s32 s6, $0x18;
	s9 =	sshra.s32 s10, $0x18  }
0x87: {  	s6 =	sshll.u32 s6, $0xC;
	s9 =	smul.u32 $0x29, s9  }
0x88: {  	s1 =	sshll.u32 s1, $0x7;
	s6 =	sand.u32 $0xFFFF8000, s6  }
0x89: {  	s1 =	sand.u32 $0x380, s1;
	s6 =	sadd.s32 s30, s6;
	s10 =	sshra.s32 s9, $0x8  }
0x8a: {  	s9 =	sshrl.u32 s9, $0x1F;
	s1 =	sor.u32 s1, s6;
	s10 =	sshrl.u32 s10, $0x3  }
0x8b: {  	s1 =	sshrl.u32 s1, $0x3;
	s6 =	sadd.s32 s9, s10  }
0x8c: {  	s10 =	rddreg [dreg:$0x6];
	s1 =	sadd.s32 s7, s1;
	s6 =	smul.u32 $0x32, s6  }
0x8d: {  	[hbm:s1@s23], [sflag:s31] =	dma.strided [hbm:s10@s23], $0x100, s22, $0x10   }
0x8e: {  	s1 =	ssub.s32 s2, s6;
	s2 =	sadd.s32 $0x5, s0  }
0x8f: {  	s6 =	sshll.u32 s1, $0x18;
	s10 =	sshll.u32 s2, $0x18  }
0x90: {  	s6 =	sshra.s32 s6, $0x18;
	s9 =	sshra.s32 s10, $0x18  }
0x91: {  	s6 =	sshll.u32 s6, $0xC;
	s9 =	smul.u32 $0x29, s9  }
0x92: {  	s1 =	sshll.u32 s1, $0x7;
	s6 =	sand.u32 $0xFFFF8000, s6  }
0x93: {  	s1 =	sand.u32 $0x380, s1;
	s6 =	sadd.s32 s30, s6;
	s10 =	sshra.s32 s9, $0x8  }
0x94: {  	s9 =	sshrl.u32 s9, $0x1F;
	s1 =	sor.u32 s1, s6;
	s10 =	sshrl.u32 s10, $0x3  }
0x95: {  	s1 =	sshrl.u32 s1, $0x3;
	s6 =	sadd.s32 s9, s10  }
0x96: {  	s10 =	rddreg [dreg:$0x7];
	s1 =	sadd.s32 s7, s1;
	s6 =	smul.u32 $0x32, s6  }
0x97: {  	[hbm:s1@s23], [sflag:s31] =	dma.strided [hbm:s10@s23], $0x100, s22, $0x10   }
0x98: {  	s1 =	ssub.s32 s2, s6;
	s2 =	sadd.s32 $0x6, s0  }
0x99: {  	s6 =	sshll.u32 s1, $0x18;
	s10 =	sshll.u32 s2, $0x18  }
0x9a: {  	s6 =	sshra.s32 s6, $0x18;
	s9 =	sshra.s32 s10, $0x18  }
0x9b: {  	s6 =	sshll.u32 s6, $0xC;
	s9 =	smul.u32 $0x29, s9  }
0x9c: {  	s1 =	sshll.u32 s1, $0x7;
	s6 =	sand.u32 $0xFFFF8000, s6  }
0x9d: {  	s1 =	sand.u32 $0x380, s1;
	s6 =	sadd.s32 s30, s6;
	s10 =	sshra.s32 s9, $0x8  }
0x9e: {  	s9 =	sshrl.u32 s9, $0x1F;
	s1 =	sor.u32 s1, s6;
	s10 =	sshrl.u32 s10, $0x3  }
0x9f: {  	s1 =	sshrl.u32 s1, $0x3;
	s6 =	sadd.s32 s9, s10  }
0xa0: {  	s10 =	rddreg [dreg:$0x8];
	s1 =	sadd.s32 s7, s1;
	s6 =	smul.u32 $0x32, s6  }
0xa1: {  	[hbm:s1@s23], [sflag:s31] =	dma.strided [hbm:s10@s23], $0x100, s22, $0x10   }
0xa2: {  	s1 =	ssub.s32 s2, s6;
	s2 =	sadd.s32 $0x7, s0  }
0xa3: {  	s6 =	sshll.u32 s1, $0x18;
	s10 =	sshll.u32 s2, $0x18  }
0xa4: {  	s6 =	sshra.s32 s6, $0x18;
	s9 =	sshra.s32 s10, $0x18  }
0xa5: {  	s6 =	sshll.u32 s6, $0xC;
	s9 =	smul.u32 $0x29, s9  }
0xa6: {  	s1 =	sshll.u32 s1, $0x7;
	s6 =	sand.u32 $0xFFFF8000, s6  }
0xa7: {  	s1 =	sand.u32 $0x380, s1;
	s6 =	sadd.s32 s30, s6;
	s10 =	sshra.s32 s9, $0x8  }
0xa8: {  	s9 =	sshrl.u32 s9, $0x1F;
	s1 =	sor.u32 s1, s6;
	s10 =	sshrl.u32 s10, $0x3  }
0xa9: {  	s1 =	sshrl.u32 s1, $0x3;
	s6 =	sadd.s32 s9, s10  }
0xaa: {  	s10 =	rddreg [dreg:$0x9];
	s1 =	sadd.s32 s7, s1;
	s6 =	smul.u32 $0x32, s6  }
0xab: {  	[hbm:s1@s23], [sflag:s31] =	dma.strided [hbm:s10@s23], $0x100, s22, $0x10   }
0xac: {  	s1 =	ssub.s32 s2, s6;
	s2 =	sadd.s32 $0x8, s0  }
0xad: {  	s6 =	sshll.u32 s1, $0x18;
	s10 =	sshll.u32 s2, $0x18  }
0xae: {  	s6 =	sshra.s32 s6, $0x18;
	s9 =	sshra.s32 s10, $0x18  }
0xaf: {  	s6 =	sshll.u32 s6, $0xC;
	s9 =	smul.u32 $0x29, s9  }
0xb0: {  	s1 =	sshll.u32 s1, $0x7;
	s6 =	sand.u32 $0xFFFF8000, s6  }
0xb1: {  	s1 =	sand.u32 $0x380, s1;
	s6 =	sadd.s32 s30, s6;
	s10 =	sshra.s32 s9, $0x8  }
0xb2: {  	s9 =	sshrl.u32 s9, $0x1F;
	s1 =	sor.u32 s1, s6;
	s10 =	sshrl.u32 s10, $0x3  }
0xb3: {  	s1 =	sshrl.u32 s1, $0x3;
	s6 =	sadd.s32 s9, s10  }
0xb4: {  	s10 =	rddreg [dreg:$0xa];
	s1 =	sadd.s32 s7, s1;
	s6 =	smul.u32 $0x32, s6  }
0xb5: {  	[hbm:s1@s23], [sflag:s31] =	dma.strided [hbm:s10@s23], $0x100, s22, $0x10   }
0xb6: {  	s1 =	ssub.s32 s2, s6;
	s2 =	sadd.s32 $0x9, s0  }
0xb7: {  	s6 =	sshll.u32 s1, $0x18;
	s10 =	sshll.u32 s2, $0x18  }
0xb8: {  	s6 =	sshra.s32 s6, $0x18;
	s9 =	sshra.s32 s10, $0x18  }
0xb9: {  	s6 =	sshll.u32 s6, $0xC;
	s9 =	smul.u32 $0x29, s9  }
0xba: {  	s1 =	sshll.u32 s1, $0x7;
	s6 =	sand.u32 $0xFFFF8000, s6  }
0xbb: {  	s1 =	sand.u32 $0x380, s1;
	s6 =	sadd.s32 s30, s6;
	s10 =	sshra.s32 s9, $0x8  }
0xbc: {  	s9 =	sshrl.u32 s9, $0x1F;
	s1 =	sor.u32 s1, s6;
	s10 =	sshrl.u32 s10, $0x3  }
0xbd: {  	s1 =	sshrl.u32 s1, $0x3;
	s6 =	sadd.s32 s9, s10  }
0xbe: {  	s10 =	rddreg [dreg:$0xb];
	s1 =	sadd.s32 s7, s1;
	s6 =	smul.u32 $0x32, s6  }
0xbf: {  	[hbm:s1@s23], [sflag:s31] =	dma.strided [hbm:s10@s23], $0x100, s22, $0x10   }
0xc0: {  	s1 =	ssub.s32 s2, s6;
	s2 =	sadd.s32 $0xA, s0  }
0xc1: {  	s6 =	sshll.u32 s1, $0x18;
	s10 =	sshll.u32 s2, $0x18  }
0xc2: {  	s6 =	sshra.s32 s6, $0x18;
	s9 =	sshra.s32 s10, $0x18  }
0xc3: {  	s6 =	sshll.u32 s6, $0xC;
	s9 =	smul.u32 $0x29, s9  }
0xc4: {  	s1 =	sshll.u32 s1, $0x7;
	s6 =	sand.u32 $0xFFFF8000, s6  }
0xc5: {  	s1 =	sand.u32 $0x380, s1;
	s6 =	sadd.s32 s30, s6;
	s10 =	sshra.s32 s9, $0x8  }
0xc6: {  	s9 =	sshrl.u32 s9, $0x1F;
	s1 =	sor.u32 s1, s6;
	s10 =	sshrl.u32 s10, $0x3  }
0xc7: {  	s1 =	sshrl.u32 s1, $0x3;
	s6 =	sadd.s32 s9, s10  }
0xc8: {  	s10 =	rddreg [dreg:$0xc];
	s1 =	sadd.s32 s7, s1;
	s6 =	smul.u32 $0x32, s6  }
0xc9: {  	[hbm:s1@s23], [sflag:s31] =	dma.strided [hbm:s10@s23], $0x100, s22, $0x10   }
0xca: {  	s1 =	ssub.s32 s2, s6;
	s2 =	sadd.s32 $0xB, s0  }
0xcb: {  	s6 =	sshll.u32 s1, $0x18;
	s10 =	sshll.u32 s2, $0x18  }
0xcc: {  	s6 =	sshra.s32 s6, $0x18;
	s9 =	sshra.s32 s10, $0x18  }
0xcd: {  	s6 =	sshll.u32 s6, $0xC;
	s9 =	smul.u32 $0x29, s9  }
0xce: {  	s1 =	sshll.u32 s1, $0x7;
	s6 =	sand.u32 $0xFFFF8000, s6  }
0xcf: {  	s1 =	sand.u32 $0x380, s1;
	s6 =	sadd.s32 s30, s6;
	s10 =	sshra.s32 s9, $0x8  }
0xd0: {  	s9 =	sshrl.u32 s9, $0x1F;
	s1 =	sor.u32 s1, s6;
	s10 =	sshrl.u32 s10, $0x3  }
0xd1: {  	s1 =	sshrl.u32 s1, $0x3;
	s6 =	sadd.s32 s9, s10  }
0xd2: {  	s10 =	rddreg [dreg:$0xd];
	s1 =	sadd.s32 s7, s1;
	s6 =	smul.u32 $0x32, s6  }
0xd3: {  	[hbm:s1@s23], [sflag:s31] =	dma.strided [hbm:s10@s23], $0x100, s22, $0x10   }
0xd4: {  	s1 =	ssub.s32 s2, s6;
	s2 =	sadd.s32 $0xC, s0  }
0xd5: {  	s6 =	sshll.u32 s1, $0x18;
	s10 =	sshll.u32 s2, $0x18  }
0xd6: {  	s6 =	sshra.s32 s6, $0x18;
	s9 =	sshra.s32 s10, $0x18  }
0xd7: {  	s6 =	sshll.u32 s6, $0xC;
	s9 =	smul.u32 $0x29, s9  }
0xd8: {  	s1 =	sshll.u32 s1, $0x7;
	s6 =	sand.u32 $0xFFFF8000, s6  }
0xd9: {  	s1 =	sand.u32 $0x380, s1;
	s6 =	sadd.s32 s30, s6;
	s10 =	sshra.s32 s9, $0x8  }
0xda: {  	s9 =	sshrl.u32 s9, $0x1F;
	s1 =	sor.u32 s1, s6;
	s10 =	sshrl.u32 s10, $0x3  }
0xdb: {  	s1 =	sshrl.u32 s1, $0x3;
	s6 =	sadd.s32 s9, s10  }
0xdc: {  	s10 =	rddreg [dreg:$0xe];
	s1 =	sadd.s32 s7, s1;
	s6 =	smul.u32 $0x32, s6  }
0xdd: {  	[hbm:s1@s23], [sflag:s31] =	dma.strided [hbm:s10@s23], $0x100, s22, $0x10   }
0xde: {  	s1 =	ssub.s32 s2, s6;
	s2 =	sadd.s32 $0xD, s0  }
0xdf: {  	s6 =	sshll.u32 s1, $0x18;
	s10 =	sshll.u32 s2, $0x18  }
0xe0: {  	s6 =	sshra.s32 s6, $0x18;
	s9 =	sshra.s32 s10, $0x18  }
0xe1: {  	s6 =	sshll.u32 s6, $0xC;
	s9 =	smul.u32 $0x29, s9  }
0xe2: {  	s1 =	sshll.u32 s1, $0x7;
	s6 =	sand.u32 $0xFFFF8000, s6  }
0xe3: {  	s1 =	sand.u32 $0x380, s1;
	s6 =	sadd.s32 s30, s6;
	s10 =	sshra.s32 s9, $0x8  }
0xe4: {  	s9 =	sshrl.u32 s9, $0x1F;
	s1 =	sor.u32 s1, s6;
	s10 =	sshrl.u32 s10, $0x3  }
0xe5: {  	s1 =	sshrl.u32 s1, $0x3;
	s6 =	sadd.s32 s9, s10  }
0xe6: {  	s10 =	rddreg [dreg:$0xf];
	s1 =	sadd.s32 s7, s1;
	s6 =	smul.u32 $0x32, s6  }
0xe7: {  	[hbm:s1@s23], [sflag:s31] =	dma.strided [hbm:s10@s23], $0x100, s22, $0x10   }
0xe8: {  	s1 =	ssub.s32 s2, s6;
	s2 =	sadd.s32 $0xE, s0  }
0xe9: {  	s6 =	sshll.u32 s1, $0x18;
	s10 =	sshll.u32 s2, $0x18  }
0xea: {  	s6 =	sshra.s32 s6, $0x18;
	s9 =	sshra.s32 s10, $0x18  }
0xeb: {  	s6 =	sshll.u32 s6, $0xC;
	s9 =	smul.u32 $0x29, s9  }
0xec: {  	s1 =	sshll.u32 s1, $0x7;
	s6 =	sand.u32 $0xFFFF8000, s6  }
0xed: {  	s1 =	sand.u32 $0x380, s1;
	s6 =	sadd.s32 s30, s6;
	s10 =	sshra.s32 s9, $0x8  }
0xee: {  	s9 =	sshrl.u32 s9, $0x1F;
	s1 =	sor.u32 s1, s6;
	s10 =	sshrl.u32 s10, $0x3  }
0xef: {  	s1 =	sshrl.u32 s1, $0x3;
	s6 =	sadd.s32 s9, s10  }
0xf0: {  	s10 =	rddreg [dreg:$0x10];
	s1 =	sadd.s32 s7, s1;
	s6 =	smul.u32 $0x32, s6  }
0xf1: {  	[hbm:s1@s23], [sflag:s31] =	dma.strided [hbm:s10@s23], $0x100, s22, $0x10   }
0xf2: {  	s1 =	ssub.s32 s2, s6;
	s2 =	sadd.s32 $0xF, s0  }
0xf3: {  	s6 =	sshll.u32 s1, $0x18;
	s10 =	sshll.u32 s2, $0x18  }
0xf4: {  	s6 =	sshra.s32 s6, $0x18;
	s9 =	sshra.s32 s10, $0x18  }
0xf5: {  	s6 =	sshll.u32 s6, $0xC;
	s9 =	smul.u32 $0x29, s9  }
0xf6: {  	s1 =	sshll.u32 s1, $0x7;
	s6 =	sand.u32 $0xFFFF8000, s6  }
0xf7: {  	s1 =	sand.u32 $0x380, s1;
	s6 =	sadd.s32 s30, s6;
	s10 =	sshra.s32 s9, $0x8  }
0xf8: {  	s9 =	sshrl.u32 s9, $0x1F;
	s1 =	sor.u32 s1, s6;
	s10 =	sshrl.u32 s10, $0x3  }
0xf9: {  	s1 =	sshrl.u32 s1, $0x3;
	s6 =	sadd.s32 s9, s10  }
0xfa: {  	s10 =	rddreg [dreg:$0x11];
	s1 =	sadd.s32 s7, s1;
	s6 =	smul.u32 $0x32, s6  }
0xfb: {  	[hbm:s1@s23], [sflag:s31] =	dma.strided [hbm:s10@s23], $0x100, s22, $0x10   }
0xfc: {  	s1 =	ssub.s32 s2, s6;
	s2 =	sadd.s32 $0x10, s0  }
0xfd: {  	s6 =	sshll.u32 s1, $0x18;
	s10 =	sshll.u32 s2, $0x18  }
0xfe: {  	s6 =	sshra.s32 s6, $0x18;
	s9 =	sshra.s32 s10, $0x18  }
0xff: {  	s6 =	sshll.u32 s6, $0xC;
	s9 =	smul.u32 $0x29, s9  }
0x100: {  	s1 =	sshll.u32 s1, $0x7;
	s6 =	sand.u32 $0xFFFF8000, s6  }
0x101: {  	s1 =	sand.u32 $0x380, s1;
	s6 =	sadd.s32 s30, s6;
	s10 =	sshra.s32 s9, $0x8  }
0x102: {  	s9 =	sshrl.u32 s9, $0x1F;
	s1 =	sor.u32 s1, s6;
	s10 =	sshrl.u32 s10, $0x3  }
0x103: {  	s1 =	sshrl.u32 s1, $0x3;
	s6 =	sadd.s32 s9, s10  }
0x104: {  	s10 =	rddreg [dreg:$0x12];
	s1 =	sadd.s32 s7, s1;
	s6 =	smul.u32 $0x32, s6  }
0x105: {  	[hbm:s1@s23], [sflag:s31] =	dma.strided [hbm:s10@s23], $0x100, s22, $0x10   }
0x106: {  	s1 =	ssub.s32 s2, s6;
	s2 =	sadd.s32 $0x11, s0  }
0x107: {  	s6 =	sshll.u32 s1, $0x18;
	s10 =	sshll.u32 s2, $0x18  }
0x108: {  	s6 =	sshra.s32 s6, $0x18;
	s9 =	sshra.s32 s10, $0x18  }
0x109: {  	s6 =	sshll.u32 s6, $0xC;
	s9 =	smul.u32 $0x29, s9  }
0x10a: {  	s1 =	sshll.u32 s1, $0x7;
	s6 =	sand.u32 $0xFFFF8000, s6  }
0x10b: {  	s1 =	sand.u32 $0x380, s1;
	s6 =	sadd.s32 s30, s6;
	s10 =	sshra.s32 s9, $0x8  }
0x10c: {  	s9 =	sshrl.u32 s9, $0x1F;
	s1 =	sor.u32 s1, s6;
	s10 =	sshrl.u32 s10, $0x3  }
0x10d: {  	s1 =	sshrl.u32 s1, $0x3;
	s6 =	sadd.s32 s9, s10  }
0x10e: {  	s10 =	rddreg [dreg:$0x13];
	s1 =	sadd.s32 s7, s1;
	s6 =	smul.u32 $0x32, s6  }
0x10f: {  	[hbm:s1@s23], [sflag:s31] =	dma.strided [hbm:s10@s23], $0x100, s22, $0x10   }
0x110: {  	s1 =	ssub.s32 s2, s6;
	s2 =	sadd.s32 $0x12, s0  }
0x111: {  	s6 =	sshll.u32 s1, $0x18;
	s10 =	sshll.u32 s2, $0x18  }
0x112: {  	s6 =	sshra.s32 s6, $0x18;
	s9 =	sshra.s32 s10, $0x18  }
0x113: {  	s6 =	sshll.u32 s6, $0xC;
	s9 =	smul.u32 $0x29, s9  }
0x114: {  	s1 =	sshll.u32 s1, $0x7;
	s6 =	sand.u32 $0xFFFF8000, s6  }
0x115: {  	s1 =	sand.u32 $0x380, s1;
	s6 =	sadd.s32 s30, s6;
	s10 =	sshra.s32 s9, $0x8  }
0x116: {  	s9 =	sshrl.u32 s9, $0x1F;
	s1 =	sor.u32 s1, s6;
	s10 =	sshrl.u32 s10, $0x3  }
0x117: {  	s1 =	sshrl.u32 s1, $0x3;
	s6 =	sadd.s32 s9, s10  }
0x118: {  	s10 =	rddreg [dreg:$0x14];
	s1 =	sadd.s32 s7, s1;
	s6 =	smul.u32 $0x32, s6  }
0x119: {  	[hbm:s1@s23], [sflag:s31] =	dma.strided [hbm:s10@s23], $0x100, s22, $0x10   }
0x11a: {  	s1 =	ssub.s32 s2, s6;
	s2 =	sadd.s32 $0x13, s0  }
0x11b: {  	s6 =	sshll.u32 s1, $0x18;
	s10 =	sshll.u32 s2, $0x18  }
0x11c: {  	s6 =	sshra.s32 s6, $0x18;
	s9 =	sshra.s32 s10, $0x18  }
0x11d: {  	s6 =	sshll.u32 s6, $0xC;
	s9 =	smul.u32 $0x29, s9  }
0x11e: {  	s1 =	sshll.u32 s1, $0x7;
	s6 =	sand.u32 $0xFFFF8000, s6  }
0x11f: {  	s1 =	sand.u32 $0x380, s1;
	s6 =	sadd.s32 s30, s6;
	s10 =	sshra.s32 s9, $0x8  }
0x120: {  	s9 =	sshrl.u32 s9, $0x1F;
	s1 =	sor.u32 s1, s6;
	s10 =	sshrl.u32 s10, $0x3  }
0x121: {  	s1 =	sshrl.u32 s1, $0x3;
	s6 =	sadd.s32 s9, s10  }
0x122: {  	s10 =	rddreg [dreg:$0x15];
	s1 =	sadd.s32 s7, s1;
	s6 =	smul.u32 $0x32, s6  }
0x123: {  	[hbm:s1@s23], [sflag:s31] =	dma.strided [hbm:s10@s23], $0x100, s22, $0x10   }
0x124: {  	s1 =	ssub.s32 s2, s6;
	s2 =	sadd.s32 $0x14, s0  }
0x125: {  	s6 =	sshll.u32 s1, $0x18;
	s10 =	sshll.u32 s2, $0x18  }
0x126: {  	s6 =	sshra.s32 s6, $0x18;
	s9 =	sshra.s32 s10, $0x18  }
0x127: {  	s6 =	sshll.u32 s6, $0xC;
	s9 =	smul.u32 $0x29, s9  }
0x128: {  	s1 =	sshll.u32 s1, $0x7;
	s6 =	sand.u32 $0xFFFF8000, s6  }
0x129: {  	s1 =	sand.u32 $0x380, s1;
	s6 =	sadd.s32 s30, s6;
	s10 =	sshra.s32 s9, $0x8  }
0x12a: {  	s9 =	sshrl.u32 s9, $0x1F;
	s1 =	sor.u32 s1, s6;
	s10 =	sshrl.u32 s10, $0x3  }
0x12b: {  	s1 =	sshrl.u32 s1, $0x3;
	s6 =	sadd.s32 s9, s10  }
0x12c: {  	s10 =	rddreg [dreg:$0x16];
	s1 =	sadd.s32 s7, s1;
	s6 =	smul.u32 $0x32, s6  }
0x12d: {  	[hbm:s1@s23], [sflag:s31] =	dma.strided [hbm:s10@s23], $0x100, s22, $0x10   }
0x12e: {  	s1 =	ssub.s32 s2, s6;
	s2 =	sadd.s32 $0x15, s0  }
0x12f: {  	s6 =	sshll.u32 s1, $0x18;
	s10 =	sshll.u32 s2, $0x18  }
0x130: {  	s6 =	sshra.s32 s6, $0x18;
	s9 =	sshra.s32 s10, $0x18  }
0x131: {  	s6 =	sshll.u32 s6, $0xC;
	s9 =	smul.u32 $0x29, s9  }
0x132: {  	s1 =	sshll.u32 s1, $0x7;
	s6 =	sand.u32 $0xFFFF8000, s6  }
0x133: {  	s1 =	sand.u32 $0x380, s1;
	s6 =	sadd.s32 s30, s6;
	s10 =	sshra.s32 s9, $0x8  }
0x134: {  	s9 =	sshrl.u32 s9, $0x1F;
	s1 =	sor.u32 s1, s6;
	s10 =	sshrl.u32 s10, $0x3  }
0x135: {  	s1 =	sshrl.u32 s1, $0x3;
	s6 =	sadd.s32 s9, s10  }
0x136: {  	s10 =	rddreg [dreg:$0x17];
	s1 =	sadd.s32 s7, s1;
	s6 =	smul.u32 $0x32, s6  }
0x137: {  	[hbm:s1@s23], [sflag:s31] =	dma.strided [hbm:s10@s23], $0x100, s22, $0x10   }
0x138: {  	s1 =	ssub.s32 s2, s6;
	s2 =	sadd.s32 $0x16, s0  }
0x139: {  	s6 =	sshll.u32 s1, $0x18;
	s10 =	sshll.u32 s2, $0x18  }
0x13a: {  	s6 =	sshra.s32 s6, $0x18;
	s9 =	sshra.s32 s10, $0x18  }
0x13b: {  	s6 =	sshll.u32 s6, $0xC;
	s9 =	smul.u32 $0x29, s9  }
0x13c: {  	s1 =	sshll.u32 s1, $0x7;
	s6 =	sand.u32 $0xFFFF8000, s6  }
0x13d: {  	s1 =	sand.u32 $0x380, s1;
	s6 =	sadd.s32 s30, s6;
	s10 =	sshra.s32 s9, $0x8  }
0x13e: {  	s9 =	sshrl.u32 s9, $0x1F;
	s1 =	sor.u32 s1, s6;
	s10 =	sshrl.u32 s10, $0x3  }
0x13f: {  	s1 =	sshrl.u32 s1, $0x3;
	s6 =	sadd.s32 s9, s10  }
0x140: {  	s10 =	rddreg [dreg:$0x18];
	s1 =	sadd.s32 s7, s1;
	s6 =	smul.u32 $0x32, s6  }
0x141: {  	[hbm:s1@s23], [sflag:s31] =	dma.strided [hbm:s10@s23], $0x100, s22, $0x10   }
0x142: {  	s1 =	ssub.s32 s2, s6;
	s2 =	sadd.s32 $0x17, s0  }
0x143: {  	s6 =	sshll.u32 s1, $0x18;
	s10 =	sshll.u32 s2, $0x18  }
0x144: {  	s6 =	sshra.s32 s6, $0x18;
	s9 =	sshra.s32 s10, $0x18  }
0x145: {  	s6 =	sshll.u32 s6, $0xC;
	s9 =	smul.u32 $0x29, s9  }
0x146: {  	s1 =	sshll.u32 s1, $0x7;
	s6 =	sand.u32 $0xFFFF8000, s6  }
0x147: {  	s1 =	sand.u32 $0x380, s1;
	s6 =	sadd.s32 s30, s6;
	s10 =	sshra.s32 s9, $0x8  }
0x148: {  	s9 =	sshrl.u32 s9, $0x1F;
	s1 =	sor.u32 s1, s6;
	s10 =	sshrl.u32 s10, $0x3  }
0x149: {  	s1 =	sshrl.u32 s1, $0x3;
	s6 =	sadd.s32 s9, s10  }
0x14a: {  	s10 =	rddreg [dreg:$0x19];
	s1 =	sadd.s32 s7, s1;
	s6 =	smul.u32 $0x32, s6  }
0x14b: {  	[hbm:s1@s23], [sflag:s31] =	dma.strided [hbm:s10@s23], $0x100, s22, $0x10   }
0x14c: {  	s1 =	ssub.s32 s2, s6;
	s2 =	sadd.s32 $0x18, s0  }
0x14d: {  	s6 =	sshll.u32 s1, $0x18;
	s10 =	sshll.u32 s2, $0x18  }
0x14e: {  	s6 =	sshra.s32 s6, $0x18;
	s9 =	sshra.s32 s10, $0x18  }
0x14f: {  	s6 =	sshll.u32 s6, $0xC;
	s9 =	smul.u32 $0x29, s9  }
0x150: {  	s1 =	sshll.u32 s1, $0x7;
	s6 =	sand.u32 $0xFFFF8000, s6  }
0x151: {  	s1 =	sand.u32 $0x380, s1;
	s6 =	sadd.s32 s30, s6;
	s10 =	sshra.s32 s9, $0x8  }
0x152: {  	s9 =	sshrl.u32 s9, $0x1F;
	s1 =	sor.u32 s1, s6;
	s10 =	sshrl.u32 s10, $0x3  }
0x153: {  	s1 =	sshrl.u32 s1, $0x3;
	s6 =	sadd.s32 s9, s10  }
0x154: {  	s10 =	rddreg [dreg:$0x1a];
	s1 =	sadd.s32 s7, s1;
	s6 =	smul.u32 $0x32, s6  }
0x155: {  	[hbm:s1@s23], [sflag:s31] =	dma.strided [hbm:s10@s23], $0x100, s22, $0x10   }
0x156: {  	s1 =	ssub.s32 s2, s6;
	s2 =	sadd.s32 $0x19, s0  }
0x157: {  	s6 =	sshll.u32 s1, $0x18;
	s10 =	sshll.u32 s2, $0x18  }
0x158: {  	s6 =	sshra.s32 s6, $0x18;
	s9 =	sshra.s32 s10, $0x18  }
0x159: {  	s6 =	sshll.u32 s6, $0xC;
	s9 =	smul.u32 $0x29, s9  }
0x15a: {  	s1 =	sshll.u32 s1, $0x7;
	s6 =	sand.u32 $0xFFFF8000, s6  }
0x15b: {  	s1 =	sand.u32 $0x380, s1;
	s6 =	sadd.s32 s30, s6;
	s10 =	sshra.s32 s9, $0x8  }
0x15c: {  	s9 =	sshrl.u32 s9, $0x1F;
	s1 =	sor.u32 s1, s6;
	s10 =	sshrl.u32 s10, $0x3  }
0x15d: {  	s1 =	sshrl.u32 s1, $0x3;
	s6 =	sadd.s32 s9, s10  }
0x15e: {  	s10 =	rddreg [dreg:$0x1b];
	s1 =	sadd.s32 s7, s1;
	s6 =	smul.u32 $0x32, s6  }
0x15f: {  	[hbm:s1@s23], [sflag:s31] =	dma.strided [hbm:s10@s23], $0x100, s22, $0x10   }
0x160: {  	s1 =	ssub.s32 s2, s6;
	s2 =	sadd.s32 $0x1A, s0  }
0x161: {  	s6 =	sshll.u32 s1, $0x18;
	s10 =	sshll.u32 s2, $0x18  }
0x162: {  	s6 =	sshra.s32 s6, $0x18;
	s9 =	sshra.s32 s10, $0x18  }
0x163: {  	s6 =	sshll.u32 s6, $0xC;
	s9 =	smul.u32 $0x29, s9  }
0x164: {  	s1 =	sshll.u32 s1, $0x7;
	s6 =	sand.u32 $0xFFFF8000, s6  }
0x165: {  	s1 =	sand.u32 $0x380, s1;
	s6 =	sadd.s32 s30, s6;
	s10 =	sshra.s32 s9, $0x8  }
0x166: {  	s9 =	sshrl.u32 s9, $0x1F;
	s1 =	sor.u32 s1, s6;
	s10 =	sshrl.u32 s10, $0x3  }
0x167: {  	s1 =	sshrl.u32 s1, $0x3;
	s6 =	sadd.s32 s9, s10  }
0x168: {  	s10 =	rddreg [dreg:$0x1c];
	s1 =	sadd.s32 s7, s1;
	s6 =	smul.u32 $0x32, s6  }
0x169: {  	[hbm:s1@s23], [sflag:s31] =	dma.strided [hbm:s10@s23], $0x100, s22, $0x10   }
0x16a: {  	s1 =	ssub.s32 s2, s6;
	s2 =	sadd.s32 $0x1B, s0  }
0x16b: {  	s6 =	sshll.u32 s1, $0x18;
	s10 =	sshll.u32 s2, $0x18  }
0x16c: {  	s6 =	sshra.s32 s6, $0x18;
	s9 =	sshra.s32 s10, $0x18  }
0x16d: {  	s6 =	sshll.u32 s6, $0xC;
	s9 =	smul.u32 $0x29, s9  }
0x16e: {  	s1 =	sshll.u32 s1, $0x7;
	s6 =	sand.u32 $0xFFFF8000, s6  }
0x16f: {  	s1 =	sand.u32 $0x380, s1;
	s6 =	sadd.s32 s30, s6;
	s10 =	sshra.s32 s9, $0x8  }
0x170: {  	s9 =	sshrl.u32 s9, $0x1F;
	s1 =	sor.u32 s1, s6;
	s10 =	sshrl.u32 s10, $0x3  }
0x171: {  	s1 =	sshrl.u32 s1, $0x3;
	s6 =	sadd.s32 s9, s10  }
0x172: {  	s10 =	rddreg [dreg:$0x1d];
	s1 =	sadd.s32 s7, s1;
	s6 =	smul.u32 $0x32, s6  }
0x173: {  	[hbm:s1@s23], [sflag:s31] =	dma.strided [hbm:s10@s23], $0x100, s22, $0x10   }
0x174: {  	s1 =	ssub.s32 s2, s6;
	s2 =	sadd.s32 $0x1C, s0  }
0x175: {  	s6 =	sshll.u32 s1, $0x18;
	s10 =	sshll.u32 s2, $0x18  }
0x176: {  	s6 =	sshra.s32 s6, $0x18;
	s9 =	sshra.s32 s10, $0x18  }
0x177: {  	s6 =	sshll.u32 s6, $0xC;
	s9 =	smul.u32 $0x29, s9  }
0x178: {  	s1 =	sshll.u32 s1, $0x7;
	s6 =	sand.u32 $0xFFFF8000, s6  }
0x179: {  	s1 =	sand.u32 $0x380, s1;
	s6 =	sadd.s32 s30, s6;
	s10 =	sshra.s32 s9, $0x8  }
0x17a: {  	s9 =	sshrl.u32 s9, $0x1F;
	s1 =	sor.u32 s1, s6;
	s10 =	sshrl.u32 s10, $0x3  }
0x17b: {  	s1 =	sshrl.u32 s1, $0x3;
	s6 =	sadd.s32 s9, s10  }
0x17c: {  	s10 =	rddreg [dreg:$0x1e];
	s1 =	sadd.s32 s7, s1;
	s6 =	smul.u32 $0x32, s6  }
0x17d: {  	[hbm:s1@s23], [sflag:s31] =	dma.strided [hbm:s10@s23], $0x100, s22, $0x10   }
0x17e: {  	s1 =	ssub.s32 s2, s6;
	s2 =	sadd.s32 $0x1D, s0  }
0x17f: {  	s6 =	sshll.u32 s1, $0x18;
	s10 =	sshll.u32 s2, $0x18  }
0x180: {  	s6 =	sshra.s32 s6, $0x18;
	s9 =	sshra.s32 s10, $0x18  }
0x181: {  	s6 =	sshll.u32 s6, $0xC;
	s9 =	smul.u32 $0x29, s9  }
0x182: {  	s1 =	sshll.u32 s1, $0x7;
	s6 =	sand.u32 $0xFFFF8000, s6  }
0x183: {  	s1 =	sand.u32 $0x380, s1;
	s6 =	sadd.s32 s30, s6;
	s10 =	sshra.s32 s9, $0x8  }
0x184: {  	s9 =	sshrl.u32 s9, $0x1F;
	s1 =	sor.u32 s1, s6;
	s10 =	sshrl.u32 s10, $0x3  }
0x185: {  	s1 =	sshrl.u32 s1, $0x3;
	s6 =	sadd.s32 s9, s10  }
0x186: {  	s10 =	rddreg [dreg:$0x1f];
	s1 =	sadd.s32 s7, s1;
	s6 =	smul.u32 $0x32, s6  }
0x187: {  	[hbm:s1@s23], [sflag:s31] =	dma.strided [hbm:s10@s23], $0x100, s22, $0x10   }
0x188: {  	s1 =	ssub.s32 s2, s6;
	s2 =	sadd.s32 $0x1E, s0  }
0x189: {  	s10 =	sshll.u32 s2, $0x18  }
0x18a: {  	s6 =	sshll.u32 s1, $0x18;
	s9 =	sshra.s32 s10, $0x18  }
0x18b: {  	s6 =	sshra.s32 s6, $0x18;
	s9 =	smul.u32 $0x29, s9  }
0x18c: {  	s1 =	sshll.u32 s1, $0x7;
	s6 =	sshll.u32 s6, $0xC  }
0x18d: {  	s1 =	sand.u32 $0x380, s1;
	s6 =	sand.u32 $0xFFFF8000, s6;
	s10 =	sshra.s32 s9, $0x8  }
0x18e: {  	s6 =	sadd.s32 s30, s6;
	s9 =	sshrl.u32 s9, $0x1F;
	s10 =	sshrl.u32 s10, $0x3  }
0x18f: {  	s1 =	sor.u32 s1, s6;
	s6 =	sadd.s32 s9, s10;
	s10 =	sld [smem:$0x7FD]  }
0x190: {  	s1 =	sshrl.u32 s1, $0x3  }
0x191: {  	s1 =	sadd.s32 s7, s1;
	s6 =	smul.u32 $0x32, s6  }
0x192: {  	[hbm:s1@s23], [sflag:s31] =	dma.strided [hbm:s10@s23], $0x100, s22, $0x10   }
0x193: {  	s0 =	sadd.s32 $0x1F, s0;
	s10 =	ssub.s32 s2, s6  }
0x194: {  	s9 =	sshll.u32 s0, $0x18;
	s2 =	sshll.u32 s10, $0x18  }
0x195: {  	s6 =	sshra.s32 s9, $0x18;
	s2 =	sshra.s32 s2, $0x18  }
0x196: {  	s6 =	smul.u32 $0x29, s6;
	s2 =	sshll.u32 s2, $0xC  }
0x197: {  	s1 =	sshll.u32 s10, $0x7;
	s2 =	sand.u32 $0xFFFF8000, s2  }
0x198: {  	s1 =	sand.u32 $0x380, s1;
	s10 =	sshra.s32 s6, $0x8;
	s2 =	sadd.s32 s30, s2  }
0x199: {  	s6 =	sshrl.u32 s6, $0x1F;
	s9 =	sshrl.u32 s10, $0x3;
	s1 =	sor.u32 s1, s2  }
0x19a: {  	s2 =	sadd.s32 s6, s9;
	s1 =	sshrl.u32 s1, $0x3  }
0x19b: {  	s2 =	smul.u32 $0x32, s2;
	s1 =	sadd.s32 s7, s1  }
0x19c: {  	[hbm:s1@s23], [sflag:s31] =	dma.strided [hbm:s12@s23], $0x100, s22, $0x10   }
0x19d: {  	s0 =	ssub.s32 s0, s2  }
0x19e: {  	s10 =	sshll.u32 s0, $0x18  }
0x19f: {  	s1 =	sshra.s32 s10, $0x18  }
0x1a0: {  	s1 =	sshll.u32 s1, $0xC  }
0x1a1: {  	s0 =	sshll.u32 s0, $0x7;
	s1 =	sand.u32 $0xFFFF8000, s1  }
0x1a2: {  	s0 =	sand.u32 $0x380, s0;
	s1 =	sadd.s32 s30, s1  }
0x1a3: {  	s0 =	sor.u32 s0, s1  }
0x1a4: {  	s0 =	sshrl.u32 s0, $0x3  }
0x1a5: {  	s0 =	sadd.s32 s7, s0  }
0x1a6: {  	[hbm:s0@s23], [sflag:s31] =	dma.strided [hbm:s13@s23], $0x100, s22, $0x10   }
0x1a7: {  	_ =	swait.ge [sflag:s29], $0x100  }
0x1a8: {  	[sflag:s29] =	ssyncset.done $0x0  }
0x1a9: {  	[sflag:s29] =	ssyncadd.s32 $0xFFFFFF00  }
0x1aa: {  	_ =	swait.ge [sflag:s29], $0x100  }
0x1ab: {  	[sflag:s29] =	ssyncset.done $0x0  }
0x1ac: {  	[sflag:s29] =	ssyncadd.s32 $0xFFFFFF00  }
0x1ad: {  	_ =	swait.ge [sflag:s29], $0x100  }
0x1ae: {  	[sflag:s29] =	ssyncset.done $0x0  }
0x1af: {  	[sflag:s29] =	ssyncadd.s32 $0xFFFFFF00  }
0x1b0: {  	_ =	swait.ge [sflag:s29], $0x100  }
0x1b1: {  	[sflag:s29] =	ssyncset.done $0x0  }
0x1b2: {  	[sflag:s29] =	ssyncadd.s32 $0xFFFFFF00  }
0x1b3: {  	_ =	swait.ge [sflag:s29], $0x100  }
0x1b4: {  	[sflag:s29] =	ssyncset.done $0x0  }
0x1b5: {  	[sflag:s29] =	ssyncadd.s32 $0xFFFFFF00  }
0x1b6: {  	_ =	swait.ge [sflag:s29], $0x100  }
0x1b7: {  	[sflag:s29] =	ssyncset.done $0x0  }
0x1b8: {  	[sflag:s29] =	ssyncadd.s32 $0xFFFFFF00  }
0x1b9: {  	_ =	swait.ge [sflag:s29], $0x100  }
0x1ba: {  	[sflag:s29] =	ssyncset.done $0x0  }
0x1bb: {  	[sflag:s29] =	ssyncadd.s32 $0xFFFFFF00  }
0x1bc: {  	_ =	swait.ge [sflag:s29], $0x100  }
0x1bd: {  	[sflag:s29] =	ssyncset.done $0x0  }
0x1be: {  	[sflag:s29] =	ssyncadd.s32 $0xFFFFFF00  }
0x1bf: {  	_ =	swait.ge [sflag:s29], $0x100  }
0x1c0: {  	[sflag:s29] =	ssyncset.done $0x0  }
0x1c1: {  	[sflag:s29] =	ssyncadd.s32 $0xFFFFFF00  }
0x1c2: {  	_ =	swait.ge [sflag:s29], $0x100  }
0x1c3: {  	[sflag:s29] =	ssyncset.done $0x0  }
0x1c4: {  	[sflag:s29] =	ssyncadd.s32 $0xFFFFFF00  }
0x1c5: {  	_ =	swait.ge [sflag:s29], $0x100  }
0x1c6: {  	[sflag:s29] =	ssyncset.done $0x0  }
0x1c7: {  	[sflag:s29] =	ssyncadd.s32 $0xFFFFFF00  }
0x1c8: {  	_ =	swait.ge [sflag:s29], $0x100  }
0x1c9: {  	[sflag:s29] =	ssyncset.done $0x0  }
0x1ca: {  	[sflag:s29] =	ssyncadd.s32 $0xFFFFFF00  }
0x1cb: {  	_ =	swait.ge [sflag:s29], $0x100  }
0x1cc: {  	[sflag:s29] =	ssyncset.done $0x0  }
0x1cd: {  	[sflag:s29] =	ssyncadd.s32 $0xFFFFFF00  }
0x1ce: {  	_ =	swait.ge [sflag:s29], $0x100  }
0x1cf: {  	[sflag:s29] =	ssyncset.done $0x0  }
0x1d0: {  	[sflag:s29] =	ssyncadd.s32 $0xFFFFFF00  }
0x1d1: {  	_ =	swait.ge [sflag:s29], $0x100  }
0x1d2: {  	[sflag:s29] =	ssyncset.done $0x0  }
0x1d3: {  	[sflag:s29] =	ssyncadd.s32 $0xFFFFFF00  }
0x1d4: {  	_ =	swait.ge [sflag:s29], $0x100  }
0x1d5: {  	[sflag:s29] =	ssyncset.done $0x0  }
0x1d6: {  	[sflag:s29] =	ssyncadd.s32 $0xFFFFFF00  }
0x1d7: {  	_ =	swait.ge [sflag:s29], $0x100  }
0x1d8: {  	[sflag:s29] =	ssyncset.done $0x0  }
0x1d9: {  	[sflag:s29] =	ssyncadd.s32 $0xFFFFFF00  }
0x1da: {  	_ =	swait.ge [sflag:s29], $0x100  }
0x1db: {  	[sflag:s29] =	ssyncset.done $0x0  }
0x1dc: {  	[sflag:s29] =	ssyncadd.s32 $0xFFFFFF00  }
0x1dd: {  	_ =	swait.ge [sflag:s29], $0x100  }
0x1de: {  	[sflag:s29] =	ssyncset.done $0x0  }
0x1df: {  	[sflag:s29] =	ssyncadd.s32 $0xFFFFFF00  }
0x1e0: {  	_ =	swait.ge [sflag:s29], $0x100  }
0x1e1: {  	[sflag:s29] =	ssyncset.done $0x0  }
0x1e2: {  	[sflag:s29] =	ssyncadd.s32 $0xFFFFFF00  }
0x1e3: {  	_ =	swait.ge [sflag:s29], $0x100  }
0x1e4: {  	[sflag:s29] =	ssyncset.done $0x0  }
0x1e5: {  	[sflag:s29] =	ssyncadd.s32 $0xFFFFFF00  }
0x1e6: {  	_ =	swait.ge [sflag:s29], $0x100  }
0x1e7: {  	[sflag:s29] =	ssyncset.done $0x0  }
0x1e8: {  	[sflag:s29] =	ssyncadd.s32 $0xFFFFFF00  }
0x1e9: {  	_ =	swait.ge [sflag:s29], $0x100  }
0x1ea: {  	[sflag:s29] =	ssyncset.done $0x0  }
0x1eb: {  	[sflag:s29] =	ssyncadd.s32 $0xFFFFFF00  }
0x1ec: {  	_ =	swait.ge [sflag:s29], $0x100  }
0x1ed: {  	[sflag:s29] =	ssyncset.done $0x0  }
0x1ee: {  	[sflag:s29] =	ssyncadd.s32 $0xFFFFFF00  }
0x1ef: {  	_ =	swait.ge [sflag:s29], $0x100  }
0x1f0: {  	[sflag:s29] =	ssyncset.done $0x0  }
0x1f1: {  	[sflag:s29] =	ssyncadd.s32 $0xFFFFFF00  }
0x1f2: {  	_ =	swait.ge [sflag:s29], $0x100  }
0x1f3: {  	[sflag:s29] =	ssyncset.done $0x0  }
0x1f4: {  	[sflag:s29] =	ssyncadd.s32 $0xFFFFFF00  }
0x1f5: {  	_ =	swait.ge [sflag:s29], $0x100  }
0x1f6: {  	[sflag:s29] =	ssyncset.done $0x0  }
0x1f7: {  	[sflag:s29] =	ssyncadd.s32 $0xFFFFFF00  }
0x1f8: {  	_ =	swait.ge [sflag:s29], $0x100  }
0x1f9: {  	[sflag:s29] =	ssyncset.done $0x0  }
0x1fa: {  	[sflag:s29] =	ssyncadd.s32 $0xFFFFFF00  }
0x1fb: {  	_ =	swait.ge [sflag:s29], $0x100  }
0x1fc: {  	[sflag:s29] =	ssyncset.done $0x0  }
0x1fd: {  	[sflag:s29] =	ssyncadd.s32 $0xFFFFFF00  }
0x1fe: {  	_ =	swait.ge [sflag:s29], $0x100  }
0x1ff: {  	[sflag:s29] =	ssyncset.done $0x0  }
0x200: {  	[sflag:s29] =	ssyncadd.s32 $0xFFFFFF00  }
0x201: {  	_ =	swait.ge [sflag:s29], $0x100  }
.Ltmp3:
0x202: {  	[sflag:s29] =	ssyncset.done $0x0;
	(pc) =	sbr.rel .LBB2_3-.Ltmp3, $4  }
0x203: {  	[sflag:s29] =	ssyncadd.s32 $0xFFFFFF00  }
0x204: {  	_ =	swait.ge [sflag:s29], $0x100  }
0x205: {  	[sflag:s29] =	ssyncset.done $0x0  }
0x206: {  	[sflag:s29] =	ssyncadd.s32 $0xFFFFFF00  }
.LBB2_4:
0x207: {  	_ =	sfence.sel $0x180000  }
0x208: {  	[bflag:$0x0] =	sbarrier.arrive $0xFFFF  }
0x209: {  	_ =	strace $0x90000047  }
0x20a: {  	s0 =	stileid.u32;
	[bflag:$0x2] =	sbarrier.arrive $0xFFFF  }
0x20b: {  	p0 =	sne.s32 s0, $0x0;
	s0 =	rddreg [dreg:$0x2]  }
0x20c: {  	s0 =	sadd.s32 @!p0 $0x100000, s0  }
0x20d: {  	[sflag:s0] =	ssyncadd.tile.s32 @!p0 $0x1;
	_ =	shalt  }
.Lfunc_end2:
_tile_overlayer_lowered:
.L_overlay_start_2:
0x20e: {  	(tag) =	ssettag $0x2  }
0x20f: {  	s0 =	rddreg [dreg:$0x0];
	s2 =	stileid.u32  }
0x210: {  	s1 =	rddreg [dreg:$0x1];
	p0 =	sne.s32 s2, $0x0  }
0x211: {  	s3 =	rddreg [dreg:$0x2];
	[bflag:$0x3] =	sbarrier.arrive $0xFFFF;
	s2 =	simm.s32 @!p0 $0x1C05  }
0x212: {  	[timem:s3], [sflag:s2] =	dma.local @!p0 [hbm:s0], s1  }
0x213: {  	s0 =	simm.s32 @!p0 $0x5  }
0x214: {  	_ =	swait.ge @!p0 [sflag:s0], s1  }
0x215: {  	s1 =	ssub.s32 @!p0 $0x0, s1;
	[sflag:s0] =	ssyncset.done @!p0 $0x0  }
0x216: {  	[sflag:s0] =	ssyncadd.s32 @!p0 s1  }
0x217: {  	[bflag:$0x3] =	sbarrier.arrive $0xFFFF  }
0x218: {  	_ =	shalt  }

</sc_bundles>
